<compile_context>
chip_gen: v7x
topology: tpu7x:2x2x1
jax: 0.10.2.dev20260603
libtpu: 0.0.44.dev20260713+nightly
codegen_flags: <defaults>
</compile_context>

<pallas_src>
import functools

import jax
import jax.numpy as jnp
import numpy as np
from jax import lax
from jax.experimental import pallas as pl
from jax.experimental.pallas import tpu as pltpu
from jax.experimental.pallas import tpu_sc as plsc

NBINS = 1000
NBINS_PAD = 1024
LANES = 16
NCORES = 2
NSUB = 16
NWORKERS = NCORES * NSUB
ROWS = 8192
COLS = 4096
TOTAL = ROWS * COLS
ROWS_PER_TILE = ROWS // NWORKERS
SLAB = 8
NSLABS = ROWS_PER_TILE // SLAB
VECS_PER_SLAB = SLAB * COLS // LANES
UNROLL = 16
INV_WIDTH = float(np.float32(1.0) / np.float32((1.0 - 0.0) / NBINS))


def _sc_histograms(x1, x2):
    mesh = plsc.VectorSubcoreMesh(core_axis_name="c", subcore_axis_name="s")

    @functools.partial(
        pl.kernel,
        out_type=(
            jax.ShapeDtypeStruct((NWORKERS * NBINS_PAD,), jnp.float32),
            jax.ShapeDtypeStruct((NWORKERS * NBINS_PAD,), jnp.float32),
        ),
        mesh=mesh,
        compiler_params=pltpu.CompilerParams(
            needs_layout_passes=False, use_tc_tiling_on_sc=True),
        scratch_types=[
            pltpu.VMEM((SLAB, COLS), jnp.float32),
            pltpu.VMEM((SLAB, COLS), jnp.float32),
            pltpu.VMEM((NBINS_PAD,), jnp.float32),
            pltpu.VMEM((NBINS_PAD,), jnp.float32),
            pltpu.SemaphoreType.DMA,
            pltpu.SemaphoreType.DMA,
        ],
    )
    def hist_kernel(x1_hbm, x2_hbm, o1_hbm, o2_hbm, buf_a, buf_b, h, red,
                    sem_a, sem_b):
        bufs = (buf_a, buf_b)
        sems = (sem_a, sem_b)
        wid = lax.axis_index("s") * NCORES + lax.axis_index("c")
        row_base = wid * ROWS_PER_TILE
        zeros16 = jnp.zeros((LANES,), jnp.float32)
        ones16 = jnp.ones((LANES,), jnp.float32)
        scale = jnp.float32(INV_WIDTH)

        def zero_hist():
            def zero_body(i, carry):
                h[pl.ds(i * LANES, LANES)] = zeros16
                return carry

            lax.fori_loop(0, NBINS_PAD // LANES, zero_body, 0)

        def process(x_hbm):
            def copy_handle(si, b):
                return pltpu.make_async_copy(
                    x_hbm.at[pl.ds(row_base + si * SLAB, SLAB), :],
                    bufs[b], sems[b])

            def consume(buf):
                @plsc.parallel_loop(0, VECS_PER_SLAB, step=1, unroll=UNROLL)
                def vec_body(vi):
                    r = lax.shift_right_logical(vi, 8)
                    c = lax.shift_left(lax.bitwise_and(vi, 255), 4)
                    v = buf[r, pl.ds(c, LANES)]
                    idx = (v * scale).astype(jnp.int32)
                    idx_u = lax.bitcast_convert_type(idx, jnp.uint32)
                    idx_u = lax.min(idx_u, jnp.uint32(NBINS - 1))
                    idx = lax.bitcast_convert_type(idx_u, jnp.int32)
                    plsc.addupdate_scatter(h, [idx], ones16)

            copy_handle(0, 0).start()
            copy_handle(1, 1).start()

            def slab_body(ci, carry):
                for b in range(2):
                    cur = ci * 2 + b
                    copy_handle(cur, b).wait()
                    consume(bufs[b])
                    nxt = cur + 2

                    @pl.when(nxt < NSLABS)
                    def _start_next():
                        copy_handle(nxt, b).start()
                return carry

            lax.fori_loop(0, NSLABS // 2, slab_body, 0)

        def reduce_write(o_hbm):
            def stage_body(i, carry):
                sl = pl.ds(i * LANES, LANES)
                red[sl] = h[sl]
                return carry

            lax.fori_loop(0, NBINS_PAD // LANES, stage_body, 0)
            pltpu.sync_copy(red, o_hbm.at[pl.ds(wid * NBINS_PAD, NBINS_PAD)])

        zero_hist()
        process(x1_hbm)
        reduce_write(o1_hbm)
        zero_hist()
        process(x2_hbm)
        reduce_write(o2_hbm)

    return hist_kernel(x1, x2)


def _kl_body(c1_ref, c2_ref, out_ref):
    sz = jnp.float32(TOTAL)
    c1 = jnp.sum(c1_ref[...], axis=0, keepdims=True)
    c2 = jnp.sum(c2_ref[...], axis=0, keepdims=True)
    p = c1 / sz
    q = c2 / sz
    mask = (p > 0) & (q > 0)
    ps = jnp.where(mask, p, 1.0)
    qs = jnp.where(mask, q, 1.0)
    logp = jnp.log(ps)
    logq = jnp.log(qs)
    kl_fwd = jnp.sum(jnp.where(mask, p * (logp - logq), 0.0))
    kl_inv = jnp.sum(jnp.where(mask, q * (logq - logp), 0.0))
    out_ref[0, 0] = (kl_fwd + kl_inv) * 0.5


def _kl_from_partials(o1, o2):
    out = pl.pallas_call(
        _kl_body,
        out_shape=jax.ShapeDtypeStruct((1, 1), jnp.float32),
        out_specs=pl.BlockSpec(memory_space=pltpu.SMEM),
    )(o1, o2)
    return out[0, 0]


def kernel(x1, x2):
    o1, o2 = _sc_histograms(x1, x2)
    return _kl_from_partials(o1.reshape(NWORKERS, NBINS_PAD),
                             o2.reshape(NWORKERS, NBINS_PAD))

# --- scband reference (transcript-rebuilt; emitter-appended) ---
"""Pipeline reference for scband-kld-loss-4947802325776 (READ-ONLY COPY).

The authoritative reference and input builder live on the scoring server;
editing this copy changes nothing except your own understanding.
"""

import jax, jax.numpy as jnp
import numpy as np

NBINS = 1000
XMIN = 0.0
XMAX = 1.0


def _histc(x):
    # Faithful translation of torch.histc(x, bins=NBINS, min=XMIN, max=XMAX):
    # equal-width bins over [XMIN, XMAX]; values outside the range are ignored;
    # values exactly equal to XMAX fall into the last bin.
    width = (XMAX - XMIN) / NBINS
    xf = x.reshape(-1)
    inrange = (xf >= XMIN) & (xf <= XMAX)
    idx = jnp.clip(jnp.floor((xf - XMIN) / width), 0, NBINS - 1).astype(jnp.int32)
    idx = jnp.where(inrange, idx, 0)
    counts = jnp.bincount(idx, weights=inrange.astype(jnp.float32), length=NBINS)
    return counts


def setup_inputs(seed: int = 0) -> dict:
    key = jax.random.key(seed)
    k1, k2 = jax.random.split(key)
    x1 = jax.random.uniform(k1, (8192, 4096), dtype=jnp.float32)
    x2 = jax.random.uniform(k2, (8192, 4096), dtype=jnp.float32)
    return {"x1": x1, "x2": x2}


def reference(x1, x2):
    sz = float(np.prod(x1.shape))
    p = _histc(x1) / sz
    q = _histc(x2) / sz
    mask = (p > 0) & (q > 0)
    # emulate boolean-mask indexing with where (jit-friendly, same math)
    ps = jnp.where(mask, p, 1.0)
    qs = jnp.where(mask, q, 1.0)
    logp = jnp.log(ps)
    logq = jnp.log(qs)
    kl_fwd = jnp.sum(jnp.where(mask, p * (logp - logq), 0.0))
    kl_inv = jnp.sum(jnp.where(mask, q * (logq - logp), 0.0))
    kl_sym = (kl_fwd + kl_inv) / 2.0
    return kl_sym

if __name__ == "__main__":
    import jax
    _d = setup_inputs()
    print(jax.jit(kernel)(*tuple(_d.values())))

</pallas_src>

<mosaic_0001>
#map = affine_map<(d0, d1) -> (0, 0)>
#map1 = affine_map<(d0, d1) -> (0)>
module attributes {stable_mosaic.version = 14 : i64} {
  func.func @hist_kernel(%arg0: i32, %arg1: i32, %arg2: memref<8192x4096xf32, #tpu.memory_space<hbm>>, %arg3: memref<8192x4096xf32, #tpu.memory_space<hbm>>, %arg4: memref<32768xf32, #tpu.memory_space<hbm>>, %arg5: memref<32768xf32, #tpu.memory_space<hbm>>, %arg6: memref<8x4096xf32, #tpu.memory_space<vmem>>, %arg7: memref<8x4096xf32, #tpu.memory_space<vmem>>, %arg8: memref<1024xf32, #tpu.memory_space<vmem>>, %arg9: memref<1024xf32, #tpu.memory_space<vmem>>, %arg10: memref<!tpu.dma_semaphore, #tpu.memory_space<semaphore_mem>>, %arg11: memref<!tpu.dma_semaphore, #tpu.memory_space<semaphore_mem>>) attributes {dimension_semantics = [#tpu.dimension_semantics<core_parallel>, #tpu.dimension_semantics<subcore_parallel>], iteration_bounds = array<i64: 2, 16>, scalar_prefetch = 0 : i64, scratch_operands = 6 : i64, tpu.core_type = #tpu.core_type<sc_vector_subcore>, window_params = [{transform_indices = #map}, {transform_indices = #map}, {transform_indices = #map1}, {transform_indices = #map1}]} {
    %mul3A = arith.constant 2 : i32
    %mul3A_0 = arith.muli %arg1, %mul3A : i32
    %add3A = arith.addi %mul3A_0, %arg0 : i32
    %mul3A_1 = arith.constant 256 : i32
    %mul3A_2 = arith.muli %add3A, %mul3A_1 : i32
    %broadcast_in_dim3A = arith.constant 0.000000e+00 : f32
    %broadcast_in_dim3A_3 = vector.broadcast %broadcast_in_dim3A : f32 to vector<16xf32>
    %broadcast_in_dim3A_4 = arith.constant 1.000000e+00 : f32
    %broadcast_in_dim3A_5 = vector.broadcast %broadcast_in_dim3A_4 : f32 to vector<16xf32>
    %scan3A = arith.constant 0 : i32
    %scan3A_6 = arith.constant 0 : i32
    %scan3A_7 = arith.constant 64 : i32
    %scan3A_8 = arith.addi %scan3A_6, %scan3A_7 : i32
    %scan3A_9 = arith.constant 1 : i32
    scf.for %scan3A_70 = %scan3A_6 to %scan3A_8 step %scan3A_9  : i32 {
      %mul3A_71 = arith.constant 16 : i32
      %mul3A_72 = arith.muli %scan3A_70, %mul3A_71 : i32
      %swap3A = arith.index_cast %mul3A_72 : i32 to index
      %swap3A_73 = tpu.vector_load %arg8[%swap3A] {strides = array<i32>} : memref<1024xf32, #tpu.memory_space<vmem>>, vector<16xf32>,
      tpu.vector_store %arg8[%swap3A], %broadcast_in_dim3A_3 {strides = array<i32>} : memref<1024xf32, #tpu.memory_space<vmem>>, vector<16xf32>,
    }
    %scan3A_10 = arith.constant 64 : i32
    %add3A_11 = arith.constant 0 : i32
    %add3A_12 = arith.addi %mul3A_2, %add3A_11 : i32
    %dma_start3A = arith.constant 0 : i32
    %dma_start3A_13 = tpu.memref_slice %arg2[%add3A_12, %dma_start3A] : memref<8192x4096xf32, #tpu.memory_space<hbm>> -> memref<8x4096xf32, #tpu.memory_space<hbm>>
    %dma_start3A_14 = arith.constant 0 : i32
    %dma_start3A_15 = tpu.memref_slice %arg2[%add3A_12, %dma_start3A_14] : memref<8192x4096xf32, #tpu.memory_space<hbm>> -> memref<8x4096xf32, #tpu.memory_space<hbm>>
    tpu.enqueue_dma source(%dma_start3A_15 : memref<8x4096xf32, #tpu.memory_space<hbm>>) target(%arg6 : memref<8x4096xf32, #tpu.memory_space<vmem>>) target_semaphore(%arg10 : memref<!tpu.dma_semaphore, #tpu.memory_space<semaphore_mem>>)
    %add3A_16 = arith.constant 8 : i32
    %add3A_17 = arith.addi %mul3A_2, %add3A_16 : i32
    %dma_start3A_18 = arith.constant 0 : i32
    %dma_start3A_19 = tpu.memref_slice %arg2[%add3A_17, %dma_start3A_18] : memref<8192x4096xf32, #tpu.memory_space<hbm>> -> memref<8x4096xf32, #tpu.memory_space<hbm>>
    %dma_start3A_20 = arith.constant 0 : i32
    %dma_start3A_21 = tpu.memref_slice %arg2[%add3A_17, %dma_start3A_20] : memref<8192x4096xf32, #tpu.memory_space<hbm>> -> memref<8x4096xf32, #tpu.memory_space<hbm>>
    tpu.enqueue_dma source(%dma_start3A_21 : memref<8x4096xf32, #tpu.memory_space<hbm>>) target(%arg7 : memref<8x4096xf32, #tpu.memory_space<vmem>>) target_semaphore(%arg11 : memref<!tpu.dma_semaphore, #tpu.memory_space<semaphore_mem>>)
    %scan3A_22 = arith.constant 0 : i32
    %scan3A_23 = arith.constant 999.999938 : f32
    %scan3A_24 = arith.constant 0 : i32
    %scan3A_25 = arith.constant 16 : i32
    %scan3A_26 = arith.addi %scan3A_24, %scan3A_25 : i32
    %scan3A_27 = arith.constant 1 : i32
    scf.for %scan3A_70 = %scan3A_24 to %scan3A_26 step %scan3A_27  : i32 {
      %mul3A_71 = arith.constant 2 : i32
      %mul3A_72 = arith.muli %scan3A_70, %mul3A_71 : i32
      %add3A_73 = arith.constant 0 : i32
      %add3A_74 = arith.addi %mul3A_72, %add3A_73 : i32
      %mul3A_75 = arith.constant 8 : i32
      %mul3A_76 = arith.muli %add3A_74, %mul3A_75 : i32
      %add3A_77 = arith.addi %mul3A_2, %mul3A_76 : i32
      %dma_wait3A = arith.constant 0 : i32
      %dma_wait3A_78 = tpu.memref_slice %arg2[%add3A_77, %dma_wait3A] : memref<8192x4096xf32, #tpu.memory_space<hbm>> -> memref<8x4096xf32, #tpu.memory_space<hbm>>
      %dma_wait3A_79 = arith.constant 0 : i32
      %dma_wait3A_80 = tpu.memref_slice %arg2[%add3A_77, %dma_wait3A_79] : memref<8192x4096xf32, #tpu.memory_space<hbm>> -> memref<8x4096xf32, #tpu.memory_space<hbm>>
      tpu.wait_dma2 semaphore(%arg10 : memref<!tpu.dma_semaphore, #tpu.memory_space<semaphore_mem>>) src(%dma_wait3A_80 : memref<8x4096xf32, #tpu.memory_space<hbm>>) dst(%arg6 : memref<8x4096xf32, #tpu.memory_space<vmem>>)
      %parallel_loop3A = arith.constant 0 : i32
      %parallel_loop3A_81 = arith.constant 2048 : i32
      %parallel_loop3A_82 = arith.constant 1 : i32
      scf.for %parallel_loop3A_108 = %parallel_loop3A to %parallel_loop3A_81 step %parallel_loop3A_82  : i32 {
        %parallel_loop3A_109 = arith.constant 8 : i32
        %parallel_loop3A_110 = arith.shrui %parallel_loop3A_108, %parallel_loop3A_109 : i32
        %parallel_loop3A_111 = arith.constant 255 : i32
        %parallel_loop3A_112 = arith.andi %parallel_loop3A_108, %parallel_loop3A_111 : i32
        %parallel_loop3A_113 = arith.constant 4 : i32
        %parallel_loop3A_114 = arith.shli %parallel_loop3A_112, %parallel_loop3A_113 : i32
        %parallel_loop3A_115 = arith.index_cast %parallel_loop3A_110 : i32 to index
        %parallel_loop3A_116 = arith.index_cast %parallel_loop3A_114 : i32 to index
        %parallel_loop3A_117 = tpu.vector_load %arg6[%parallel_loop3A_115, %parallel_loop3A_116] {strides = array<i32>} : memref<8x4096xf32, #tpu.memory_space<vmem>>, vector<16xf32>,
        %parallel_loop3A_118 = vector.broadcast %scan3A_23 : f32 to vector<16xf32>
        %parallel_loop3A_119 = arith.mulf %parallel_loop3A_117, %parallel_loop3A_118 : vector<16xf32>
        %parallel_loop3A_120 = arith.fptosi %parallel_loop3A_119 : vector<16xf32> to vector<16xi32>
        %parallel_loop3A_121 = tpu.bitcast %parallel_loop3A_120 : vector<16xi32> -> vector<16xi32>
        %parallel_loop3A_122 = arith.constant 999 : i32
        %parallel_loop3A_123 = vector.broadcast %parallel_loop3A_122 : i32 to vector<16xi32>
        %parallel_loop3A_124 = arith.minui %parallel_loop3A_121, %parallel_loop3A_123 : vector<16xi32>
        %parallel_loop3A_125 = tpu.bitcast %parallel_loop3A_124 : vector<16xi32> -> vector<16xi32>
        tpu.vector_store_idx %arg8[%parallel_loop3A_125], %broadcast_in_dim3A_5 {add = true} : memref<1024xf32, #tpu.memory_space<vmem>>[vector<16xi32>], vector<16xf32>,
      } {sc.loop_unroll_factor = 16 : i64, sc.parallel_access}
      %add3A_83 = arith.constant 2 : i32
      %add3A_84 = arith.addi %add3A_74, %add3A_83 : i32
      %lt3A = arith.constant 32 : i32
      %lt3A_85 = arith.cmpi slt, %add3A_84, %lt3A : i32
      %convert_element_type3A = arith.extui %lt3A_85 : i1 to i32
      %cond3A = arith.constant 0 : i32
      %cond3A_86 = arith.cmpi ne, %convert_element_type3A, %cond3A : i32
      scf.if %cond3A_86 {
        %mul3A_108 = arith.constant 8 : i32
        %mul3A_109 = arith.muli %add3A_84, %mul3A_108 : i32
        %add3A_110 = arith.addi %mul3A_2, %mul3A_109 : i32
        %dma_start3A_111 = arith.constant 0 : i32
        %dma_start3A_112 = tpu.memref_slice %arg2[%add3A_110, %dma_start3A_111] : memref<8192x4096xf32, #tpu.memory_space<hbm>> -> memref<8x4096xf32, #tpu.memory_space<hbm>>
        %dma_start3A_113 = arith.constant 0 : i32
        %dma_start3A_114 = tpu.memref_slice %arg2[%add3A_110, %dma_start3A_113] : memref<8192x4096xf32, #tpu.memory_space<hbm>> -> memref<8x4096xf32, #tpu.memory_space<hbm>>
        tpu.enqueue_dma source(%dma_start3A_114 : memref<8x4096xf32, #tpu.memory_space<hbm>>) target(%arg6 : memref<8x4096xf32, #tpu.memory_space<vmem>>) target_semaphore(%arg10 : memref<!tpu.dma_semaphore, #tpu.memory_space<semaphore_mem>>)
      } else {
      }
      %mul3A_87 = arith.constant 2 : i32
      %mul3A_88 = arith.muli %scan3A_70, %mul3A_87 : i32
      %add3A_89 = arith.constant 1 : i32
      %add3A_90 = arith.addi %mul3A_88, %add3A_89 : i32
      %mul3A_91 = arith.constant 8 : i32
      %mul3A_92 = arith.muli %add3A_90, %mul3A_91 : i32
      %add3A_93 = arith.addi %mul3A_2, %mul3A_92 : i32
      %dma_wait3A_94 = arith.constant 0 : i32
      %dma_wait3A_95 = tpu.memref_slice %arg2[%add3A_93, %dma_wait3A_94] : memref<8192x4096xf32, #tpu.memory_space<hbm>> -> memref<8x4096xf32, #tpu.memory_space<hbm>>
      %dma_wait3A_96 = arith.constant 0 : i32
      %dma_wait3A_97 = tpu.memref_slice %arg2[%add3A_93, %dma_wait3A_96] : memref<8192x4096xf32, #tpu.memory_space<hbm>> -> memref<8x4096xf32, #tpu.memory_space<hbm>>
      tpu.wait_dma2 semaphore(%arg11 : memref<!tpu.dma_semaphore, #tpu.memory_space<semaphore_mem>>) src(%dma_wait3A_97 : memref<8x4096xf32, #tpu.memory_space<hbm>>) dst(%arg7 : memref<8x4096xf32, #tpu.memory_space<vmem>>)
      %parallel_loop3A_98 = arith.constant 0 : i32
      %parallel_loop3A_99 = arith.constant 2048 : i32
      %parallel_loop3A_100 = arith.constant 1 : i32
      scf.for %parallel_loop3A_108 = %parallel_loop3A_98 to %parallel_loop3A_99 step %parallel_loop3A_100  : i32 {
        %parallel_loop3A_109 = arith.constant 8 : i32
        %parallel_loop3A_110 = arith.shrui %parallel_loop3A_108, %parallel_loop3A_109 : i32
        %parallel_loop3A_111 = arith.constant 255 : i32
        %parallel_loop3A_112 = arith.andi %parallel_loop3A_108, %parallel_loop3A_111 : i32
        %parallel_loop3A_113 = arith.constant 4 : i32
        %parallel_loop3A_114 = arith.shli %parallel_loop3A_112, %parallel_loop3A_113 : i32
        %parallel_loop3A_115 = arith.index_cast %parallel_loop3A_110 : i32 to index
        %parallel_loop3A_116 = arith.index_cast %parallel_loop3A_114 : i32 to index
        %parallel_loop3A_117 = tpu.vector_load %arg7[%parallel_loop3A_115, %parallel_loop3A_116] {strides = array<i32>} : memref<8x4096xf32, #tpu.memory_space<vmem>>, vector<16xf32>,
        %parallel_loop3A_118 = vector.broadcast %scan3A_23 : f32 to vector<16xf32>
        %parallel_loop3A_119 = arith.mulf %parallel_loop3A_117, %parallel_loop3A_118 : vector<16xf32>
        %parallel_loop3A_120 = arith.fptosi %parallel_loop3A_119 : vector<16xf32> to vector<16xi32>
        %parallel_loop3A_121 = tpu.bitcast %parallel_loop3A_120 : vector<16xi32> -> vector<16xi32>
        %parallel_loop3A_122 = arith.constant 999 : i32
        %parallel_loop3A_123 = vector.broadcast %parallel_loop3A_122 : i32 to vector<16xi32>
        %parallel_loop3A_124 = arith.minui %parallel_loop3A_121, %parallel_loop3A_123 : vector<16xi32>
        %parallel_loop3A_125 = tpu.bitcast %parallel_loop3A_124 : vector<16xi32> -> vector<16xi32>
        tpu.vector_store_idx %arg8[%parallel_loop3A_125], %broadcast_in_dim3A_5 {add = true} : memref<1024xf32, #tpu.memory_space<vmem>>[vector<16xi32>], vector<16xf32>,
      } {sc.loop_unroll_factor = 16 : i64, sc.parallel_access}
      %add3A_101 = arith.constant 2 : i32
      %add3A_102 = arith.addi %add3A_90, %add3A_101 : i32
      %lt3A_103 = arith.constant 32 : i32
      %lt3A_104 = arith.cmpi slt, %add3A_102, %lt3A_103 : i32
      %convert_element_type3A_105 = arith.extui %lt3A_104 : i1 to i32
      %cond3A_106 = arith.constant 0 : i32
      %cond3A_107 = arith.cmpi ne, %convert_element_type3A_105, %cond3A_106 : i32
      scf.if %cond3A_107 {
        %mul3A_108 = arith.constant 8 : i32
        %mul3A_109 = arith.muli %add3A_102, %mul3A_108 : i32
        %add3A_110 = arith.addi %mul3A_2, %mul3A_109 : i32
        %dma_start3A_111 = arith.constant 0 : i32
        %dma_start3A_112 = tpu.memref_slice %arg2[%add3A_110, %dma_start3A_111] : memref<8192x4096xf32, #tpu.memory_space<hbm>> -> memref<8x4096xf32, #tpu.memory_space<hbm>>
        %dma_start3A_113 = arith.constant 0 : i32
        %dma_start3A_114 = tpu.memref_slice %arg2[%add3A_110, %dma_start3A_113] : memref<8192x4096xf32, #tpu.memory_space<hbm>> -> memref<8x4096xf32, #tpu.memory_space<hbm>>
        tpu.enqueue_dma source(%dma_start3A_114 : memref<8x4096xf32, #tpu.memory_space<hbm>>) target(%arg7 : memref<8x4096xf32, #tpu.memory_space<vmem>>) target_semaphore(%arg11 : memref<!tpu.dma_semaphore, #tpu.memory_space<semaphore_mem>>)
      } else {
      }
    }
    %scan3A_28 = arith.constant 16 : i32
    %scan3A_29 = arith.constant 0 : i32
    %scan3A_30 = arith.constant 0 : i32
    %scan3A_31 = arith.constant 64 : i32
    %scan3A_32 = arith.addi %scan3A_30, %scan3A_31 : i32
    %scan3A_33 = arith.constant 1 : i32
    scf.for %scan3A_70 = %scan3A_30 to %scan3A_32 step %scan3A_33  : i32 {
      %mul3A_71 = arith.constant 16 : i32
      %mul3A_72 = arith.muli %scan3A_70, %mul3A_71 : i32
      %get3A = arith.index_cast %mul3A_72 : i32 to index
      %get3A_73 = tpu.vector_load %arg8[%get3A] {strides = array<i32>} : memref<1024xf32, #tpu.memory_space<vmem>>, vector<16xf32>,
      %swap3A = arith.index_cast %mul3A_72 : i32 to index
      %swap3A_74 = tpu.vector_load %arg9[%swap3A] {strides = array<i32>} : memref<1024xf32, #tpu.memory_space<vmem>>, vector<16xf32>,
      tpu.vector_store %arg9[%swap3A], %get3A_73 {strides = array<i32>} : memref<1024xf32, #tpu.memory_space<vmem>>, vector<16xf32>,
    }
    %scan3A_34 = arith.constant 64 : i32
    %mul3A_35 = arith.constant 1024 : i32
    %mul3A_36 = arith.muli %add3A, %mul3A_35 : i32
    "tpu.region"() ({
      %run_scoped3A = tpu.sem_alloc : memref<!tpu.dma_semaphore, #tpu.memory_space<semaphore_mem>>
      %dma_start3A_70 = tpu.memref_slice %arg4[%mul3A_36] : memref<32768xf32, #tpu.memory_space<hbm>> -> memref<1024xf32, #tpu.memory_space<hbm>>
      %dma_start3A_71 = tpu.memref_slice %arg4[%mul3A_36] : memref<32768xf32, #tpu.memory_space<hbm>> -> memref<1024xf32, #tpu.memory_space<hbm>>
      tpu.enqueue_dma source(%arg9 : memref<1024xf32, #tpu.memory_space<vmem>>) target(%dma_start3A_71 : memref<1024xf32, #tpu.memory_space<hbm>>) target_semaphore(%run_scoped3A : memref<!tpu.dma_semaphore, #tpu.memory_space<semaphore_mem>>)
      %dma_wait3A = tpu.memref_slice %arg4[%mul3A_36] : memref<32768xf32, #tpu.memory_space<hbm>> -> memref<1024xf32, #tpu.memory_space<hbm>>
      %dma_wait3A_72 = tpu.memref_slice %arg4[%mul3A_36] : memref<32768xf32, #tpu.memory_space<hbm>> -> memref<1024xf32, #tpu.memory_space<hbm>>
      tpu.wait_dma2 semaphore(%run_scoped3A : memref<!tpu.dma_semaphore, #tpu.memory_space<semaphore_mem>>) src(%arg9 : memref<1024xf32, #tpu.memory_space<vmem>>) dst(%dma_wait3A_72 : memref<1024xf32, #tpu.memory_space<hbm>>)
      tpu.yield
    }) : () -> ()
    %scan3A_37 = arith.constant 0 : i32
    %scan3A_38 = arith.constant 0 : i32
    %scan3A_39 = arith.constant 64 : i32
    %scan3A_40 = arith.addi %scan3A_38, %scan3A_39 : i32
    %scan3A_41 = arith.constant 1 : i32
    scf.for %scan3A_70 = %scan3A_38 to %scan3A_40 step %scan3A_41  : i32 {
      %mul3A_71 = arith.constant 16 : i32
      %mul3A_72 = arith.muli %scan3A_70, %mul3A_71 : i32
      %swap3A = arith.index_cast %mul3A_72 : i32 to index
      %swap3A_73 = tpu.vector_load %arg8[%swap3A] {strides = array<i32>} : memref<1024xf32, #tpu.memory_space<vmem>>, vector<16xf32>,
      tpu.vector_store %arg8[%swap3A], %broadcast_in_dim3A_3 {strides = array<i32>} : memref<1024xf32, #tpu.memory_space<vmem>>, vector<16xf32>,
    }
    %scan3A_42 = arith.constant 64 : i32
    %add3A_43 = arith.constant 0 : i32
    %add3A_44 = arith.addi %mul3A_2, %add3A_43 : i32
    %dma_start3A_45 = arith.constant 0 : i32
    %dma_start3A_46 = tpu.memref_slice %arg3[%add3A_44, %dma_start3A_45] : memref<8192x4096xf32, #tpu.memory_space<hbm>> -> memref<8x4096xf32, #tpu.memory_space<hbm>>
    %dma_start3A_47 = arith.constant 0 : i32
    %dma_start3A_48 = tpu.memref_slice %arg3[%add3A_44, %dma_start3A_47] : memref<8192x4096xf32, #tpu.memory_space<hbm>> -> memref<8x4096xf32, #tpu.memory_space<hbm>>
    tpu.enqueue_dma source(%dma_start3A_48 : memref<8x4096xf32, #tpu.memory_space<hbm>>) target(%arg6 : memref<8x4096xf32, #tpu.memory_space<vmem>>) target_semaphore(%arg10 : memref<!tpu.dma_semaphore, #tpu.memory_space<semaphore_mem>>)
    %add3A_49 = arith.constant 8 : i32
    %add3A_50 = arith.addi %mul3A_2, %add3A_49 : i32
    %dma_start3A_51 = arith.constant 0 : i32
    %dma_start3A_52 = tpu.memref_slice %arg3[%add3A_50, %dma_start3A_51] : memref<8192x4096xf32, #tpu.memory_space<hbm>> -> memref<8x4096xf32, #tpu.memory_space<hbm>>
    %dma_start3A_53 = arith.constant 0 : i32
    %dma_start3A_54 = tpu.memref_slice %arg3[%add3A_50, %dma_start3A_53] : memref<8192x4096xf32, #tpu.memory_space<hbm>> -> memref<8x4096xf32, #tpu.memory_space<hbm>>
    tpu.enqueue_dma source(%dma_start3A_54 : memref<8x4096xf32, #tpu.memory_space<hbm>>) target(%arg7 : memref<8x4096xf32, #tpu.memory_space<vmem>>) target_semaphore(%arg11 : memref<!tpu.dma_semaphore, #tpu.memory_space<semaphore_mem>>)
    %scan3A_55 = arith.constant 0 : i32
    %scan3A_56 = arith.constant 999.999938 : f32
    %scan3A_57 = arith.constant 0 : i32
    %scan3A_58 = arith.constant 16 : i32
    %scan3A_59 = arith.addi %scan3A_57, %scan3A_58 : i32
    %scan3A_60 = arith.constant 1 : i32
    scf.for %scan3A_70 = %scan3A_57 to %scan3A_59 step %scan3A_60  : i32 {
      %mul3A_71 = arith.constant 2 : i32
      %mul3A_72 = arith.muli %scan3A_70, %mul3A_71 : i32
      %add3A_73 = arith.constant 0 : i32
      %add3A_74 = arith.addi %mul3A_72, %add3A_73 : i32
      %mul3A_75 = arith.constant 8 : i32
      %mul3A_76 = arith.muli %add3A_74, %mul3A_75 : i32
      %add3A_77 = arith.addi %mul3A_2, %mul3A_76 : i32
      %dma_wait3A = arith.constant 0 : i32
      %dma_wait3A_78 = tpu.memref_slice %arg3[%add3A_77, %dma_wait3A] : memref<8192x4096xf32, #tpu.memory_space<hbm>> -> memref<8x4096xf32, #tpu.memory_space<hbm>>
      %dma_wait3A_79 = arith.constant 0 : i32
      %dma_wait3A_80 = tpu.memref_slice %arg3[%add3A_77, %dma_wait3A_79] : memref<8192x4096xf32, #tpu.memory_space<hbm>> -> memref<8x4096xf32, #tpu.memory_space<hbm>>
      tpu.wait_dma2 semaphore(%arg10 : memref<!tpu.dma_semaphore, #tpu.memory_space<semaphore_mem>>) src(%dma_wait3A_80 : memref<8x4096xf32, #tpu.memory_space<hbm>>) dst(%arg6 : memref<8x4096xf32, #tpu.memory_space<vmem>>)
      %parallel_loop3A = arith.constant 0 : i32
      %parallel_loop3A_81 = arith.constant 2048 : i32
      %parallel_loop3A_82 = arith.constant 1 : i32
      scf.for %parallel_loop3A_108 = %parallel_loop3A to %parallel_loop3A_81 step %parallel_loop3A_82  : i32 {
        %parallel_loop3A_109 = arith.constant 8 : i32
        %parallel_loop3A_110 = arith.shrui %parallel_loop3A_108, %parallel_loop3A_109 : i32
        %parallel_loop3A_111 = arith.constant 255 : i32
        %parallel_loop3A_112 = arith.andi %parallel_loop3A_108, %parallel_loop3A_111 : i32
        %parallel_loop3A_113 = arith.constant 4 : i32
        %parallel_loop3A_114 = arith.shli %parallel_loop3A_112, %parallel_loop3A_113 : i32
        %parallel_loop3A_115 = arith.index_cast %parallel_loop3A_110 : i32 to index
        %parallel_loop3A_116 = arith.index_cast %parallel_loop3A_114 : i32 to index
        %parallel_loop3A_117 = tpu.vector_load %arg6[%parallel_loop3A_115, %parallel_loop3A_116] {strides = array<i32>} : memref<8x4096xf32, #tpu.memory_space<vmem>>, vector<16xf32>,
        %parallel_loop3A_118 = vector.broadcast %scan3A_56 : f32 to vector<16xf32>
        %parallel_loop3A_119 = arith.mulf %parallel_loop3A_117, %parallel_loop3A_118 : vector<16xf32>
        %parallel_loop3A_120 = arith.fptosi %parallel_loop3A_119 : vector<16xf32> to vector<16xi32>
        %parallel_loop3A_121 = tpu.bitcast %parallel_loop3A_120 : vector<16xi32> -> vector<16xi32>
        %parallel_loop3A_122 = arith.constant 999 : i32
        %parallel_loop3A_123 = vector.broadcast %parallel_loop3A_122 : i32 to vector<16xi32>
        %parallel_loop3A_124 = arith.minui %parallel_loop3A_121, %parallel_loop3A_123 : vector<16xi32>
        %parallel_loop3A_125 = tpu.bitcast %parallel_loop3A_124 : vector<16xi32> -> vector<16xi32>
        tpu.vector_store_idx %arg8[%parallel_loop3A_125], %broadcast_in_dim3A_5 {add = true} : memref<1024xf32, #tpu.memory_space<vmem>>[vector<16xi32>], vector<16xf32>,
      } {sc.loop_unroll_factor = 16 : i64, sc.parallel_access}
      %add3A_83 = arith.constant 2 : i32
      %add3A_84 = arith.addi %add3A_74, %add3A_83 : i32
      %lt3A = arith.constant 32 : i32
      %lt3A_85 = arith.cmpi slt, %add3A_84, %lt3A : i32
      %convert_element_type3A = arith.extui %lt3A_85 : i1 to i32
      %cond3A = arith.constant 0 : i32
      %cond3A_86 = arith.cmpi ne, %convert_element_type3A, %cond3A : i32
      scf.if %cond3A_86 {
        %mul3A_108 = arith.constant 8 : i32
        %mul3A_109 = arith.muli %add3A_84, %mul3A_108 : i32
        %add3A_110 = arith.addi %mul3A_2, %mul3A_109 : i32
        %dma_start3A_111 = arith.constant 0 : i32
        %dma_start3A_112 = tpu.memref_slice %arg3[%add3A_110, %dma_start3A_111] : memref<8192x4096xf32, #tpu.memory_space<hbm>> -> memref<8x4096xf32, #tpu.memory_space<hbm>>
        %dma_start3A_113 = arith.constant 0 : i32
        %dma_start3A_114 = tpu.memref_slice %arg3[%add3A_110, %dma_start3A_113] : memref<8192x4096xf32, #tpu.memory_space<hbm>> -> memref<8x4096xf32, #tpu.memory_space<hbm>>
        tpu.enqueue_dma source(%dma_start3A_114 : memref<8x4096xf32, #tpu.memory_space<hbm>>) target(%arg6 : memref<8x4096xf32, #tpu.memory_space<vmem>>) target_semaphore(%arg10 : memref<!tpu.dma_semaphore, #tpu.memory_space<semaphore_mem>>)
      } else {
      }
      %mul3A_87 = arith.constant 2 : i32
      %mul3A_88 = arith.muli %scan3A_70, %mul3A_87 : i32
      %add3A_89 = arith.constant 1 : i32
      %add3A_90 = arith.addi %mul3A_88, %add3A_89 : i32
      %mul3A_91 = arith.constant 8 : i32
      %mul3A_92 = arith.muli %add3A_90, %mul3A_91 : i32
      %add3A_93 = arith.addi %mul3A_2, %mul3A_92 : i32
      %dma_wait3A_94 = arith.constant 0 : i32
      %dma_wait3A_95 = tpu.memref_slice %arg3[%add3A_93, %dma_wait3A_94] : memref<8192x4096xf32, #tpu.memory_space<hbm>> -> memref<8x4096xf32, #tpu.memory_space<hbm>>
      %dma_wait3A_96 = arith.constant 0 : i32
      %dma_wait3A_97 = tpu.memref_slice %arg3[%add3A_93, %dma_wait3A_96] : memref<8192x4096xf32, #tpu.memory_space<hbm>> -> memref<8x4096xf32, #tpu.memory_space<hbm>>
      tpu.wait_dma2 semaphore(%arg11 : memref<!tpu.dma_semaphore, #tpu.memory_space<semaphore_mem>>) src(%dma_wait3A_97 : memref<8x4096xf32, #tpu.memory_space<hbm>>) dst(%arg7 : memref<8x4096xf32, #tpu.memory_space<vmem>>)
      %parallel_loop3A_98 = arith.constant 0 : i32
      %parallel_loop3A_99 = arith.constant 2048 : i32
      %parallel_loop3A_100 = arith.constant 1 : i32
      scf.for %parallel_loop3A_108 = %parallel_loop3A_98 to %parallel_loop3A_99 step %parallel_loop3A_100  : i32 {
        %parallel_loop3A_109 = arith.constant 8 : i32
        %parallel_loop3A_110 = arith.shrui %parallel_loop3A_108, %parallel_loop3A_109 : i32
        %parallel_loop3A_111 = arith.constant 255 : i32
        %parallel_loop3A_112 = arith.andi %parallel_loop3A_108, %parallel_loop3A_111 : i32
        %parallel_loop3A_113 = arith.constant 4 : i32
        %parallel_loop3A_114 = arith.shli %parallel_loop3A_112, %parallel_loop3A_113 : i32
        %parallel_loop3A_115 = arith.index_cast %parallel_loop3A_110 : i32 to index
        %parallel_loop3A_116 = arith.index_cast %parallel_loop3A_114 : i32 to index
        %parallel_loop3A_117 = tpu.vector_load %arg7[%parallel_loop3A_115, %parallel_loop3A_116] {strides = array<i32>} : memref<8x4096xf32, #tpu.memory_space<vmem>>, vector<16xf32>,
        %parallel_loop3A_118 = vector.broadcast %scan3A_56 : f32 to vector<16xf32>
        %parallel_loop3A_119 = arith.mulf %parallel_loop3A_117, %parallel_loop3A_118 : vector<16xf32>
        %parallel_loop3A_120 = arith.fptosi %parallel_loop3A_119 : vector<16xf32> to vector<16xi32>
        %parallel_loop3A_121 = tpu.bitcast %parallel_loop3A_120 : vector<16xi32> -> vector<16xi32>
        %parallel_loop3A_122 = arith.constant 999 : i32
        %parallel_loop3A_123 = vector.broadcast %parallel_loop3A_122 : i32 to vector<16xi32>
        %parallel_loop3A_124 = arith.minui %parallel_loop3A_121, %parallel_loop3A_123 : vector<16xi32>
        %parallel_loop3A_125 = tpu.bitcast %parallel_loop3A_124 : vector<16xi32> -> vector<16xi32>
        tpu.vector_store_idx %arg8[%parallel_loop3A_125], %broadcast_in_dim3A_5 {add = true} : memref<1024xf32, #tpu.memory_space<vmem>>[vector<16xi32>], vector<16xf32>,
      } {sc.loop_unroll_factor = 16 : i64, sc.parallel_access}
      %add3A_101 = arith.constant 2 : i32
      %add3A_102 = arith.addi %add3A_90, %add3A_101 : i32
      %lt3A_103 = arith.constant 32 : i32
      %lt3A_104 = arith.cmpi slt, %add3A_102, %lt3A_103 : i32
      %convert_element_type3A_105 = arith.extui %lt3A_104 : i1 to i32
      %cond3A_106 = arith.constant 0 : i32
      %cond3A_107 = arith.cmpi ne, %convert_element_type3A_105, %cond3A_106 : i32
      scf.if %cond3A_107 {
        %mul3A_108 = arith.constant 8 : i32
        %mul3A_109 = arith.muli %add3A_102, %mul3A_108 : i32
        %add3A_110 = arith.addi %mul3A_2, %mul3A_109 : i32
        %dma_start3A_111 = arith.constant 0 : i32
        %dma_start3A_112 = tpu.memref_slice %arg3[%add3A_110, %dma_start3A_111] : memref<8192x4096xf32, #tpu.memory_space<hbm>> -> memref<8x4096xf32, #tpu.memory_space<hbm>>
        %dma_start3A_113 = arith.constant 0 : i32
        %dma_start3A_114 = tpu.memref_slice %arg3[%add3A_110, %dma_start3A_113] : memref<8192x4096xf32, #tpu.memory_space<hbm>> -> memref<8x4096xf32, #tpu.memory_space<hbm>>
        tpu.enqueue_dma source(%dma_start3A_114 : memref<8x4096xf32, #tpu.memory_space<hbm>>) target(%arg7 : memref<8x4096xf32, #tpu.memory_space<vmem>>) target_semaphore(%arg11 : memref<!tpu.dma_semaphore, #tpu.memory_space<semaphore_mem>>)
      } else {
      }
    }
    %scan3A_61 = arith.constant 16 : i32
    %scan3A_62 = arith.constant 0 : i32
    %scan3A_63 = arith.constant 0 : i32
    %scan3A_64 = arith.constant 64 : i32
    %scan3A_65 = arith.addi %scan3A_63, %scan3A_64 : i32
    %scan3A_66 = arith.constant 1 : i32
    scf.for %scan3A_70 = %scan3A_63 to %scan3A_65 step %scan3A_66  : i32 {
      %mul3A_71 = arith.constant 16 : i32
      %mul3A_72 = arith.muli %scan3A_70, %mul3A_71 : i32
      %get3A = arith.index_cast %mul3A_72 : i32 to index
      %get3A_73 = tpu.vector_load %arg8[%get3A] {strides = array<i32>} : memref<1024xf32, #tpu.memory_space<vmem>>, vector<16xf32>,
      %swap3A = arith.index_cast %mul3A_72 : i32 to index
      %swap3A_74 = tpu.vector_load %arg9[%swap3A] {strides = array<i32>} : memref<1024xf32, #tpu.memory_space<vmem>>, vector<16xf32>,
      tpu.vector_store %arg9[%swap3A], %get3A_73 {strides = array<i32>} : memref<1024xf32, #tpu.memory_space<vmem>>, vector<16xf32>,
    }
    %scan3A_67 = arith.constant 64 : i32
    %mul3A_68 = arith.constant 1024 : i32
    %mul3A_69 = arith.muli %add3A, %mul3A_68 : i32
    "tpu.region"() ({
      %run_scoped3A = tpu.sem_alloc : memref<!tpu.dma_semaphore, #tpu.memory_space<semaphore_mem>>
      %dma_start3A_70 = tpu.memref_slice %arg5[%mul3A_69] : memref<32768xf32, #tpu.memory_space<hbm>> -> memref<1024xf32, #tpu.memory_space<hbm>>
      %dma_start3A_71 = tpu.memref_slice %arg5[%mul3A_69] : memref<32768xf32, #tpu.memory_space<hbm>> -> memref<1024xf32, #tpu.memory_space<hbm>>
      tpu.enqueue_dma source(%arg9 : memref<1024xf32, #tpu.memory_space<vmem>>) target(%dma_start3A_71 : memref<1024xf32, #tpu.memory_space<hbm>>) target_semaphore(%run_scoped3A : memref<!tpu.dma_semaphore, #tpu.memory_space<semaphore_mem>>)
      %dma_wait3A = tpu.memref_slice %arg5[%mul3A_69] : memref<32768xf32, #tpu.memory_space<hbm>> -> memref<1024xf32, #tpu.memory_space<hbm>>
      %dma_wait3A_72 = tpu.memref_slice %arg5[%mul3A_69] : memref<32768xf32, #tpu.memory_space<hbm>> -> memref<1024xf32, #tpu.memory_space<hbm>>
      tpu.wait_dma2 semaphore(%run_scoped3A : memref<!tpu.dma_semaphore, #tpu.memory_space<semaphore_mem>>) src(%arg9 : memref<1024xf32, #tpu.memory_space<vmem>>) dst(%dma_wait3A_72 : memref<1024xf32, #tpu.memory_space<hbm>>)
      tpu.yield
    }) : () -> ()
    return
  }
}

module attributes {stable_mosaic.version = 14 : i64} {
  func.func @_kl_body(%arg0: memref<32x1024xf32, #tpu.memory_space<vmem>>, %arg1: memref<32x1024xf32, #tpu.memory_space<vmem>>, %arg2: memref<1x1xf32, #tpu.memory_space<smem>>) attributes {dimension_semantics = [], scalar_prefetch = 0 : i64, scratch_operands = 0 : i64, tpu.core_type = #tpu.core_type<tc>} {
    %get3A = arith.constant 0 : index
    %get3A_0 = arith.constant 0 : index
    %get3A_1 = vector.load %arg0[%get3A, %get3A_0] : memref<32x1024xf32, #tpu.memory_space<vmem>>, vector<32x1024xf32>
    %reduce_sum3A = arith.constant dense<0.000000e+00> : vector<1024xf32>
    %reduce_sum3A_2 = vector.multi_reduction <add>, %get3A_1, %reduce_sum3A [0] : vector<32x1024xf32> to vector<1024xf32>
    %broadcast_in_dim3A = vector.shape_cast %reduce_sum3A_2 : vector<1024xf32> to vector<1x1024xf32>
    %get3A_3 = arith.constant 0 : index
    %get3A_4 = arith.constant 0 : index
    %get3A_5 = vector.load %arg1[%get3A_3, %get3A_4] : memref<32x1024xf32, #tpu.memory_space<vmem>>, vector<32x1024xf32>
    %reduce_sum3A_6 = arith.constant dense<0.000000e+00> : vector<1024xf32>
    %reduce_sum3A_7 = vector.multi_reduction <add>, %get3A_5, %reduce_sum3A_6 [0] : vector<32x1024xf32> to vector<1024xf32>
    %broadcast_in_dim3A_8 = vector.shape_cast %reduce_sum3A_7 : vector<1024xf32> to vector<1x1024xf32>
    %div3A = arith.constant 0x4C000000 : f32
    %div3A_9 = vector.broadcast %div3A : f32 to vector<1x1024xf32>
    %div3A_10 = arith.divf %broadcast_in_dim3A, %div3A_9 : vector<1x1024xf32>
    %div3A_11 = arith.constant 0x4C000000 : f32
    %div3A_12 = vector.broadcast %div3A_11 : f32 to vector<1x1024xf32>
    %div3A_13 = arith.divf %broadcast_in_dim3A_8, %div3A_12 : vector<1x1024xf32>
    %gt3A = arith.constant 0.000000e+00 : f32
    %gt3A_14 = vector.broadcast %gt3A : f32 to vector<1x1024xf32>
    %gt3A_15 = arith.cmpf ogt, %div3A_10, %gt3A_14 : vector<1x1024xf32>
    %gt3A_16 = arith.constant 0.000000e+00 : f32
    %gt3A_17 = vector.broadcast %gt3A_16 : f32 to vector<1x1024xf32>
    %gt3A_18 = arith.cmpf ogt, %div3A_13, %gt3A_17 : vector<1x1024xf32>
    %and3A = arith.andi %gt3A_15, %gt3A_18 : vector<1x1024xi1>
    %jit3A = arith.constant 1.000000e+00 : f32
    %broadcast_in_dim3A_19 = vector.broadcast %jit3A : f32 to vector<1x1024xf32>
    %select_n3A = arith.select %and3A, %div3A_10, %broadcast_in_dim3A_19 : vector<1x1024xi1>, vector<1x1024xf32>
    %jit3A_20 = arith.constant 1.000000e+00 : f32
    %broadcast_in_dim3A_21 = vector.broadcast %jit3A_20 : f32 to vector<1x1024xf32>
    %select_n3A_22 = arith.select %and3A, %div3A_13, %broadcast_in_dim3A_21 : vector<1x1024xi1>, vector<1x1024xf32>
    %log3A = math.log %select_n3A : vector<1x1024xf32>
    %log3A_23 = math.log %select_n3A_22 : vector<1x1024xf32>
    %sub3A = arith.subf %log3A, %log3A_23 : vector<1x1024xf32>
    %mul3A = arith.mulf %div3A_10, %sub3A : vector<1x1024xf32>
    %jit3A_24 = arith.constant 0.000000e+00 : f32
    %broadcast_in_dim3A_25 = vector.broadcast %jit3A_24 : f32 to vector<1x1024xf32>
    %select_n3A_26 = arith.select %and3A, %mul3A, %broadcast_in_dim3A_25 : vector<1x1024xi1>, vector<1x1024xf32>
    %reduce_sum3A_27 = vector.shape_cast %select_n3A_26 : vector<1x1024xf32> to vector<1x1x1024xf32>
    %reduce_sum3A_28 = arith.constant dense<0.000000e+00> : vector<1xf32>
    %reduce_sum3A_29 = vector.multi_reduction <add>, %reduce_sum3A_27, %reduce_sum3A_28 [1, 2] : vector<1x1x1024xf32> to vector<1xf32>
    %reduce_sum3A_30 = vector.shape_cast %reduce_sum3A_29 : vector<1xf32> to vector<1x1x1xf32>
    %reduce_sum3A_31 = vector.extract %reduce_sum3A_30[0, 0, 0] : f32 from vector<1x1x1xf32>
    %sub3A_32 = arith.subf %log3A_23, %log3A : vector<1x1024xf32>
    %mul3A_33 = arith.mulf %div3A_13, %sub3A_32 : vector<1x1024xf32>
    %jit3A_34 = arith.constant 0.000000e+00 : f32
    %broadcast_in_dim3A_35 = vector.broadcast %jit3A_34 : f32 to vector<1x1024xf32>
    %select_n3A_36 = arith.select %and3A, %mul3A_33, %broadcast_in_dim3A_35 : vector<1x1024xi1>, vector<1x1024xf32>
    %reduce_sum3A_37 = vector.shape_cast %select_n3A_36 : vector<1x1024xf32> to vector<1x1x1024xf32>
    %reduce_sum3A_38 = arith.constant dense<0.000000e+00> : vector<1xf32>
    %reduce_sum3A_39 = vector.multi_reduction <add>, %reduce_sum3A_37, %reduce_sum3A_38 [1, 2] : vector<1x1x1024xf32> to vector<1xf32>
    %reduce_sum3A_40 = vector.shape_cast %reduce_sum3A_39 : vector<1xf32> to vector<1x1x1xf32>
    %reduce_sum3A_41 = vector.extract %reduce_sum3A_40[0, 0, 0] : f32 from vector<1x1x1xf32>
    %add3A = arith.addf %reduce_sum3A_31, %reduce_sum3A_41 : f32
    %mul3A_42 = arith.constant 5.000000e-01 : f32
    %mul3A_43 = arith.mulf %add3A, %mul3A_42 : f32
    %swap3A = arith.constant 0 : index
    %swap3A_44 = arith.constant 0 : index
    %swap3A_45 = memref.load %arg2[%swap3A, %swap3A_44] : memref<1x1xf32, #tpu.memory_space<smem>>
    memref.store %mul3A_43, %arg2[%swap3A, %swap3A_44] : memref<1x1xf32, #tpu.memory_space<smem>>
    return
  }
}

</mosaic_0001>

<sc_bundles>
// kernel: kernel.4.cloned.1.call-start
scs
__scs_entry_jumppad:
0x0: {  	(pc) =	sbr.rel $0x88, $3  }
0x1: {  	(tag) =	ssettag $0x0;
	lr =	simm.s32 $0x1  }
0x2: {  	[smem:$0x3F9F] =	sst lr;
	_ =	strace $0xD0000000  }
0x3: {  	_ = 	snop  }
0x4: {  	_ = 	snop  }
0x5: {  	_ = 	snop  }
0x6: {  	_ = 	snop  }
0x7: {  	_ = 	snop  }
__scs_overlays_trampoline_lowered:
0x8: {  	[smem:$0x3FAE] =	sst s0  }
0x9: {  	[smem:$0x3FAF] =	sst s1  }
0xa: {  	[smem:$0x3FB0] =	sst s2  }
0xb: {  	[smem:$0x3FB1] =	sst s3  }
0xc: {  	[smem:$0x3FB2] =	sst s4  }
0xd: {  	[smem:$0x3FB3] =	sst s5  }
0xe: {  	[smem:$0x3FB4] =	sst s6  }
0xf: {  	[smem:$0x3FB5] =	sst s7  }
0x10: {  	[smem:$0x3FB6] =	sst s8  }
0x11: {  	[smem:$0x3FB7] =	sst s9;
	s0 =	simm.s32 @!p0 $0x0  }
0x12: {  	s1 =	sld [smem:$0x3F9D];
	s0 =	simm.s32 @p0 $0x1  }
0x13: {  	[smem:$0x3FB8] =	sst s0;
	s0 =	simm.s32 @!p1 $0x0  }
0x14: {  	s2 =	sld [smem:$0x3F9C];
	s0 =	simm.s32 @p1 $0x1  }
0x15: {  	[smem:$0x3FB9] =	sst s0;
	s0 =	simm.s32 @!p2 $0x0  }
0x16: {  	s3 =	sld [smem:$0x3FDB];
	s0 =	simm.s32 @p2 $0x1  }
0x17: {  	s4 =	simm.s32 $0x1BF5;
	[smem:$0x3FBB] =	sst s0  }
0x18: {  	s0 =	sld [smem:$0x3F9E];
	_ =	swait.ge [sflag:s4], $0x0  }
0x19: {  	s7 =	sld [smem:$0x3F9F]  }
0x1a: {  	s8 =	sadd.s32 $0xFFFFE003, lr  }
0x1b: {  	s9 =	sadd.s32 $0xFFFFFEF7, lr;
	s5 =	simm.s32 $0xFFFFFFFF;
	p2 =	slt.u32 s8, $0xFFFFF086  }
0x1c: {  	p1 =	slt.u32 s9, $0xF7A;
	s5 =	simm.s32 @!p2 $0x0  }
0x1d: {  	s5 =	simm.s32 @p1 $0x1;
	p0 =	seq.s32 s7, s2  }
0x1e: {  	s7 =	smul.u32 @!p0 $0xF7A, s2;
	p2 =	seq.s32 @!p0 s5, $0x0  }
0x1f: {  	s9 =	smul.u32 $0xF7A, s1;
	s8 =	simm.s32 @!p0 $0x1BF5;
	p2 =	por !p2, p0  }
0x20: {  	[sflag:s8] =	ssyncset.s32 @!p0 $0xFFFFF086;
	s6 =	sadd.s32 @!p0 s3, s7;
	s7 =	simm.s32 @!p0 $0x108  }
0x21: {  	s3 =	sadd.s32 s3, s9;
	s6 =	sadd.s32 @!p0 $0x88, s6;
	s7 =	simm.s32 @p2 $0x1082  }
0x22: {  	[simem:s7], [sflag:s8] =	dma.local @!p0 [hbm:s6], $0xF7A  }
0x23: {  	s9 =	sor.u32 $0xD0000000, s2;
	s6 =	simm.s32 $0x108;
	_ =	swait.ge @!p0 [sflag:s8], $0x0  }
0x24: {  	s3 =	sadd.s32 $0x88, s3;
	s6 =	simm.s32 @!p1 $0x1082;
	[sflag:s4] =	ssyncset.s32 $0xFFFFF086  }
0x25: {  	[simem:s6], [sflag:s4] =	dma.local [hbm:s3], $0xF7A  }
0x26: {  	[smem:$0x3F9F] =	sst s1;
	(tag) =	ssettag s2;
	_ =	strace s9  }
0x27: {  	s1 =	sld [smem:$0x3FAF]  }
0x28: {  	s2 =	sld [smem:$0x3FB0]  }
0x29: {  	s4 =	sld [smem:$0x3FB2]  }
0x2a: {  	p0 =	seq.s32 s5, $0x0;
	s5 =	sld [smem:$0x3FB3]  }
0x2b: {  	s6 =	sld [smem:$0x3FB4]  }
0x2c: {  	s7 =	sld [smem:$0x3FB5]  }
0x2d: {  	s3 =	simm.s32 $0x108;
	s8 =	sld [smem:$0x3FB6]  }
0x2e: {  	s3 =	simm.s32 @!p0 $0x1082;
	s9 =	sld [smem:$0x3FB7]  }
0x2f: {  	lr =	sadd.s32 s0, s3;
	s0 =	sld [smem:$0x3FAE]  }
0x30: {  	s3 =	sld [smem:$0x3FB1]  }
0x31: {  	[smem:$0x3FBA] =	sst s10  }
0x32: {  	s10 =	sld [smem:$0x3FB8];
	_ =	sdelay $0x3  }
0x33: {  	p0 =	seq.s32 s10, $0x1;
	s10 =	sld [smem:$0x3FBA];
	_ =	sdelay $0x3  }
0x34: {  	[smem:$0x3FBA] =	sst s10  }
0x35: {  	s10 =	sld [smem:$0x3FB9];
	_ =	sdelay $0x3  }
0x36: {  	p1 =	seq.s32 s10, $0x1;
	s10 =	sld [smem:$0x3FBA];
	_ =	sdelay $0x3  }
0x37: {  	[smem:$0x3FBA] =	sst s10  }
0x38: {  	s10 =	sld [smem:$0x3FBB]  }
0x39: {  	_ = 	snop;
	(pc) =	sbr.ind lr, $3  }
0x3a: {  	_ = 	snop  }
0x3b: {  	_ = 	snop  }
0x3c: {  	p2 =	seq.s32 s10, $0x1;
	s10 =	sld [smem:$0x3FBA]  }
0x3d: {  	_ =	shalt  }
0x3e: {  	_ =	shalt  }
0x3f: {  	_ =	shalt  }
0x40: {  	_ =	shalt  }
0x41: {  	_ =	shalt  }
0x42: {  	_ =	shalt  }
0x43: {  	_ =	shalt  }
0x44: {  	_ =	shalt  }
0x45: {  	_ =	shalt  }
0x46: {  	_ =	shalt  }
0x47: {  	_ =	shalt  }
0x48: {  	_ =	shalt  }
0x49: {  	_ =	shalt  }
0x4a: {  	_ =	shalt  }
0x4b: {  	_ =	shalt  }
0x4c: {  	_ =	shalt  }
0x4d: {  	_ =	shalt  }
0x4e: {  	_ =	shalt  }
0x4f: {  	_ =	shalt  }
0x50: {  	_ =	shalt  }
0x51: {  	_ =	shalt  }
0x52: {  	_ =	shalt  }
0x53: {  	_ =	shalt  }
0x54: {  	_ =	shalt  }
0x55: {  	_ =	shalt  }
0x56: {  	_ =	shalt  }
0x57: {  	_ =	shalt  }
0x58: {  	_ =	shalt  }
0x59: {  	_ =	shalt  }
0x5a: {  	_ =	shalt  }
0x5b: {  	_ =	shalt  }
0x5c: {  	_ =	shalt  }
0x5d: {  	_ =	shalt  }
0x5e: {  	_ =	shalt  }
0x5f: {  	_ =	shalt  }
0x60: {  	_ =	shalt  }
0x61: {  	_ =	shalt  }
0x62: {  	_ =	shalt  }
0x63: {  	_ =	shalt  }
0x64: {  	_ =	shalt  }
0x65: {  	_ =	shalt  }
0x66: {  	_ =	shalt  }
0x67: {  	_ =	shalt  }
0x68: {  	_ =	shalt  }
0x69: {  	_ =	shalt  }
0x6a: {  	_ =	shalt  }
0x6b: {  	_ =	shalt  }
0x6c: {  	_ =	shalt  }
0x6d: {  	_ =	shalt  }
0x6e: {  	_ =	shalt  }
0x6f: {  	_ =	shalt  }
0x70: {  	_ =	shalt  }
0x71: {  	_ =	shalt  }
0x72: {  	_ =	shalt  }
0x73: {  	_ =	shalt  }
0x74: {  	_ =	shalt  }
0x75: {  	_ =	shalt  }
0x76: {  	_ =	shalt  }
0x77: {  	_ =	shalt  }
0x78: {  	_ =	shalt  }
0x79: {  	_ =	shalt  }
0x7a: {  	_ =	shalt  }
0x7b: {  	_ =	shalt  }
0x7c: {  	_ =	shalt  }
0x7d: {  	_ =	shalt  }
0x7e: {  	_ =	shalt  }
0x7f: {  	_ =	shalt  }
0x80: {  	_ =	shalt  }
0x81: {  	_ =	shalt  }
0x82: {  	_ =	shalt  }
0x83: {  	_ =	shalt  }
0x84: {  	_ =	shalt  }
0x85: {  	_ =	shalt  }
0x86: {  	_ =	shalt  }
0x87: {  	_ =	shalt  }
.Lfunc_end0:
.L_simem_size_0:
called_computation_lowered:
.L_overlay_start_0:
0x88: {  	s2 =	sld [smem:$0x3FD9]  }
0x89: {  	s3 =	sld [smem:$0x3FFE];
	_ =	sdelay $0x1  }
0x8a: {  	s1 =	srdreg.scid  }
0x8b: {  	s0 =	sand.u32 $0x1, s1  }
0x8c: {  	s17 =	sshll.u32 s0, $0xA;
	s2 =	sadd.s32 s3, s2  }
0x8d: {  	s2 =	sadd.s32 s2, s17  }
0x8e: {  	[smem:$0x3FC6] =	sst s2  }
0x8f: {  	_ = 	snop  }
0x90: {  	s2 =	sld [smem:$0x3FC9]  }
0x91: {  	s18 =	sld [smem:$0x3FC8];
	(tm) =	ssettm $0x1  }
0x92: {  	s4 =	sld [smem:$0x3FFB];
	_ =	sdelay $0x3  }
0x93: {  	_ =	strace s4  }
0x94: {  	s4 =	sld [smem:$0x3FFC];
	_ =	sdelay $0x3  }
0x95: {  	_ =	strace s4  }
0x96: {  	s4 =	sld [smem:$0x3FFD];
	_ =	sdelay $0x3  }
0x97: {  	_ =	strace s4  }
0x98: {  	_ =	strace $0x8FFFFFFF  }
0x99: {  	s19 =	sld [smem:$0x3FDB];
	_ =	sdelay $0x1  }
0x9a: {  	s5 =	simm.s32 $_scs_section_size  }
0x9b: {  	s6 =	simm.s32 $_size__tile_overlayer_lowered;
	s7 =	simm.s32 $_tile_overlayer_lowered  }
0x9c: {  	s22 =	simm.s32 $0x1BFF;
	s21 =	sshll.u32 s7, $0x1;
	s4 =	sadd.s32 s5, s19  }
0x9d: {  	s8 =	simm.s32 $0x0;
	s20 =	sshll.u32 s6, $0x1;
	s6 =	sadd.s32 s21, s4  }
0x9e: {  	[timem:s8], [sflag:s22] =	dma.local [hbm:s6], s20  }
0x9f: {  	_ =	swait.ge [sflag:s22], s20  }
0xa0: {  	s5 =	ssub.s32 $0x0, s20;
	[sflag:s22] =	ssyncset.done $0x0  }
0xa1: {  	[sflag:s22] =	ssyncadd.s32 s5;
	_ =	sdelay $0x1  }
0xa2: {  	s23 =	simm.s32 $0x1B8B  }
0xa3: {  	_ =	swait.ge [sflag:s23], $0x1  }
0xa4: {  	[sflag:s23] =	ssyncset.done $0x0  }
0xa5: {  	s25 =	simm.s32 $0x1B8E;
	s24 =	sld [smem:$0x3FFE];
	[sflag:s23] =	ssyncadd.s32 $0xFFFFFFFF  }
0xa6: {  	s26 =	simm.s32 $execute0_lowered;
	[smem:$0x3FD2] =	sst s25  }
0xa7: {  	s6 =	sshll.u32 s26, $0x1;
	_ =	strace $0x80000046;
	[dreg:$0x1] =	wrdreg $0xFFFFFFFF  }
0xa8: {  	s28 =	simm.s32 $_size_execute0_lowered;
	s4 =	sadd.s32 s4, s6;
	[dreg:$0x0] =	wrdreg $0x0  }
0xa9: {  	s6 =	sshll.u32 s28, $0x1;
	[dreg:$0x2] =	wrdreg s4  }
0xaa: {  	[dreg:$0x3] =	wrdreg s6  }
0xab: {  	[dreg:$0x4] =	wrdreg $0xC0  }
0xac: {  	_ =	task [dreg:s8], $0x5FFFF  }
0xad: {  	[dreg:$0x1] =	wrdreg $0xFFFFFFFF  }
0xae: {  	[dreg:$0x0] =	wrdreg $0x60  }
0xaf: {  	[dreg:$0x2] =	wrdreg s2  }
0xb0: {  	[dreg:$0x3] =	wrdreg s18  }
0xb1: {  	[dreg:$0x4] =	wrdreg s24  }
0xb2: {  	[dreg:$0x5] =	wrdreg $0x9  }
0xb3: {  	_ =	task.clear_ibuf [dreg:s8], $0x6FFFF;
	_ =	strace $0x90000046  }
0xb4: {  	s29 =	simm.s32 $0x9;
	_ =	strace $0x80000048  }
0xb5: {  	_ =	swait.ge [sflag:s29], $0x1  }
0xb6: {  	[sflag:s29] =	ssyncadd.s32 $0xFFFFFFFF  }
0xb7: {  	_ =	strace $0x90000048  }
0xb8: {  	_ =	sfence  }
0xb9: {  	s30 =	sld [smem:$0x0];
	_ =	sdelay $0x2  }
0xba: {  	s31 =	sshll.u32 s1, $0xD;
	s1 =	sshrl.u32 s1, $0x2  }
0xbb: {  	s3 =	sand.u32 $0x4000, s31;
	s1 =	sadd.s32 s1, s30  }
0xbc: {  	s0 =	sor.u32 s3, s0;
	s1 =	sshll.u32 s1, $0x11  }
0xbd: {  	s0 =	sor.u32 s1, s0  }
0xbe: {  	s0 =	sadd.s32 $0x8F2B, s0  }
0xbf: {  	[sflag:s0] =	ssyncadd.remote.s32 $0x1  }
0xc0: {  	_ =	sfence.sel $0xFFFF  }
0xc1: {  	[dreg:$0x0] =	wrdreg $0xFFFFFFFF;
	(pc) =	sbr.abs _section_cstart, $3  }
0xc2: {  	[dreg:$0x1] =	wrdreg $0xFFFFFFFF  }
0xc3: {  	_ =	task.clear_ibuf [dreg:s8], $0x2FFFF;
	_ =	strace $0x9FFFFFFF  }
0xc4: {  	(tm) =	ssettm $0x7FFFFFFF  }
0xc5: {  	_ =	shalt  }
tec
execute0_lowered:
.L_overlay_start_1:
0x0: {  	(tag) =	ssettag $0x1  }
0x1: {  	s4 =	rddreg [dreg:$0x0]  }
0x2: {  	s9 =	rddreg [dreg:$0x1]  }
0x3: {  	s3 =	rddreg [dreg:$0x2]  }
0x4: {  	s0 =	rddreg [dreg:$0x3]  }
0x5: {  	s5 =	srdreg.scid;
	s1 =	stileid.u32;
	s2 =	simm.s32 $0x0  }
0x6: {  	s14 =	simm.s32 $0x8000;
	s15 =	simm.s32 $0x1;
	s16 =	simm.s32 $0x10000  }
0x7: {  	s17 =	simm.s32 $0x2;
	s18 =	simm.s32 $0x10400;
	s19 =	simm.s32 $0x3  }
0x8: {  	s5 =	sand.u32 $0x1, s5;
	s6 =	sshll.u32 s1, $0x1;
	[smem:$0x7FF] =	sst s2  }
0x9: {  	s20 =	simm.s32 $0x0;
	s6 =	sor.u32 s5, s6;
	_ =	strace $0x80000047  }
0xa: {  	s5 =	ssub.s32 $0x2, s5;
	s7 =	sshll.u32 s6, $0x7;
	s8 =	sshll.u32 s6, $0x11  }
0xb: {  	s31 =	sshrl.u32 s5, $0x1;
	s12 =	sadd.s32 s7, s3;
	s3 =	sadd.s32 s4, s8  }
0xc: {  	s10 =	sor.u32 $0x1000, s8;
	s13 =	ssub.s32 s5, s31;
	s8 =	sadd.s32 s9, s8  }
0xd: {  	s4 =	sadd.s32 s4, s10;
	s5 =	sadd.s32 $0x2000, s3;
	s6 =	sadd.s32 $0x3000, s3  }
0xe: {  	s7 =	sadd.s32 $0x800, s12;
	s9 =	sadd.s32 s9, s10;
	s10 =	sadd.s32 $0x2000, s8  }
0xf: {  	v0 =	vimm.f32 $0.0e+00;
	v1 =	vimm.f32 $1.000000000e+00;
	s11 =	sadd.s32 $0x3000, s8;
	s12 =	sadd.s32 $0x1800, s12;
	s13 =	smax.u32 s13, $0x1  }
.LBB2_1:
0x10: {  	s21 =	simm.s32 $0x40;
	s22 =	simm.s32 $0x0  }
.LBB2_2:
0x11: {  	p0 =	sne.s32 s21, $0xFC0;
	[tilespmem:s22+$0x10000] =	vst v0;
	s22 =	smov.u32 s21;
	s21 =	sadd.s32 $0x40, s21  }
.Ltmp0:
0x12: {  	(pc) =	sbr.rel @p0 .LBB2_2-.Ltmp0, $2  }
0x13: {  	_ =	sdelay $0x2  }
0x14: {  	s22 =	sshra.s32 s22, $0x2  }
0x15: {  	[tilespmem:s22+$0x10000] =	vst v0;
	s21 =	simm.s32 $0x0  }
0x16: {  	[tilespmem:s21], [sflag:$0x1] =	stream.linear.gather [hbm4b:s3+s21], $0x8000, $0x38;
	[tilespmem:$0x10800] =	vst v63  }
0x17: {  	s22 =	simm.s32 $0x0  }
0x18: {  	[tilespmem:s14], [sflag:$0x2] =	stream.linear.gather [hbm4b:s4+s21], $0x8000, $0x38;
	[tilespmem:$0x10800] =	vst v63  }
.LBB2_4:
0x19: {  	_ =	swait.ge [sflag:s15], $0x8000  }
0x1a: {  	s23 =	sand.u32 $0x7800, s21;
	s24 =	sand.u32 $0x380, s21;
	[sflag:s15] =	ssyncset.done $0x0  }
0x1b: {  	s23 =	sor.u32 s24, s23;
	[sflag:s15] =	ssyncadd.s32 $0xFFFF8000  }
0x1c: {  	v2 =	vld [tilespmem:s23+$0x470]  }
0x1d: {  	v3 =	vld [tilespmem:s23+$0x0]  }
0x1e: {  	v4 =	vld [tilespmem:s23+$0x10]  }
0x1f: {  	v5 =	vld [tilespmem:s23+$0x20]  }
0x20: {  	v6 =	vld [tilespmem:s23+$0x30]  }
0x21: {  	v7 =	vld [tilespmem:s23+$0x40]  }
0x22: {  	v8 =	vld [tilespmem:s23+$0x50]  }
0x23: {  	v9 =	vld [tilespmem:s23+$0x60]  }
0x24: {  	v10 =	vld [tilespmem:s23+$0x70]  }
0x25: {  	v11 =	vld [tilespmem:s23+$0x400]  }
0x26: {  	v12 =	vld [tilespmem:s23+$0x410]  }
0x27: {  	v13 =	vld [tilespmem:s23+$0x420];
	v2 =	vmul.f32 $9.999999380e+02, v2  }
0x28: {  	v14 =	vld [tilespmem:s23+$0x430];
	v3 =	vmul.f32 $9.999999380e+02, v3;
	v4 =	vmul.f32 $9.999999380e+02, v4  }
0x29: {  	v5 =	vmul.f32 $9.999999380e+02, v5;
	v6 =	vmul.f32 $9.999999380e+02, v6  }
0x2a: {  	v7 =	vmul.f32 $9.999999380e+02, v7;
	v8 =	vmul.f32 $9.999999380e+02, v8  }
0x2b: {  	v9 =	vmul.f32 $9.999999380e+02, v9;
	v10 =	vmul.f32 $9.999999380e+02, v10  }
0x2c: {  	v11 =	vmul.f32 $9.999999380e+02, v11;
	v12 =	vmul.f32 $9.999999380e+02, v12  }
0x2d: {  	v13 =	vmul.f32 $9.999999380e+02, v13;
	v14 =	vmul.f32 $9.999999380e+02, v14  }
0x2e: {  	v15 =	vld [tilespmem:s23+$0x440];
	v2 =	vtrunc.f32 v2;
	v3 =	vtrunc.f32 v3  }
0x2f: {  	v16 =	vld [tilespmem:s23+$0x450];
	v4 =	vtrunc.f32 v4;
	v5 =	vtrunc.f32 v5  }
0x30: {  	v6 =	vtrunc.f32 v6;
	v7 =	vtrunc.f32 v7  }
0x31: {  	v8 =	vtrunc.f32 v8;
	v9 =	vtrunc.f32 v9  }
0x32: {  	v10 =	vtrunc.f32 v10;
	v11 =	vtrunc.f32 v11  }
0x33: {  	v18 =	vtrunc.f32 v12;
	v12 =	vmul.f32 $9.999999380e+02, v15  }
0x34: {  	v17 =	vld [tilespmem:s23+$0x460];
	v13 =	vtrunc.f32 v13;
	v15 =	vmul.f32 $9.999999380e+02, v16  }
0x35: {  	v14 =	vtrunc.f32 v14;
	v2 =	vcvt.f32.s32 v2  }
0x36: {  	v3 =	vcvt.f32.s32 v3;
	v4 =	vcvt.f32.s32 v4  }
0x37: {  	v21 =	vcvt.f32.s32 v7;
	v7 =	vcvt.f32.s32 v9  }
0x38: {  	v11 =	vcvt.f32.s32 v11;
	v9 =	vcvt.f32.s32 v18  }
0x39: {  	v16 =	vtrunc.f32 v12;
	v12 =	vmul.f32 $9.999999380e+02, v17;
	v17 =	vmin.u32 v2, $0x3E7  }
0x3a: {  	v15 =	vtrunc.f32 v15;
	v2 =	vcvt.f32.s32 v5;
	v20 =	vmin.u32 v3, $0x3E7  }
0x3b: {  	v3 =	vcvt.f32.s32 v6;
	v6 =	vmin.u32 v4, $0x3E7;
	v4 =	vcvt.f32.s32 v8  }
0x3c: {  	v8 =	vcvt.f32.s32 v13;
	v13 =	vcvt.f32.s32 v14;
	v5 =	vmin.u32 v2, $0x3E7  }
0x3d: {  	v15 =	vcvt.f32.s32 v15;
	v19 =	vtrunc.f32 v12  }
0x3e: {  	v12 =	vcvt.f32.s32 v10;
	v10 =	vcvt.f32.s32 v16;
	v2 =	vmin.u32 v3, $0x3E7;
	[tilespmem:v17+s16+$0x0] =	vst.idx.add.f32.msk $0xffff, v1  }
0x3f: {  	s25 =	simm.s32 $0x800;
	s24 =	simm.s32 $0x8;
	s23 =	simm.s32 $0x0;
	v3 =	vmin.u32 v21, $0x3E7;
	v4 =	vmin.u32 v4, $0x3E7;
	v14 =	vcvt.f32.s32 v19;
	[tilespmem:v20+s16+$0x0] =	vst.idx.add.f32.msk $0xffff, v1  }
.LBB2_5:
0x40: {  	s26 =	sand.u32 $0x7800, s25;
	s28 =	sand.u32 $0x380, s24;
	s23 =	sadd.s32 $0x10, s23;
	[tilespmem:v6+s16+$0x0] =	vst.idx.add.f32.msk $0xffff, v1;
	v6 =	vmin.u32 v7, $0x3E7;
	v7 =	vmin.u32 v12, $0x3E7;
	v11 =	vmin.u32 v11, $0x3E7  }
0x41: {  	v8 =	vmin.u32 v8, $0x3E7;
	s26 =	sor.u32 s28, s26;
	p0 =	slt.u32 s23, $0x7F0;
	[tilespmem:v5+s16+$0x0] =	vst.idx.add.f32.msk $0xffff, v1;
	v5 =	vmin.u32 v9, $0x3E7;
	v9 =	vmin.u32 v13, $0x3E7  }
0x42: {  	v10 =	vmin.u32 v10, $0x3E7;
	v13 =	vmin.u32 v15, $0x3E7;
	v14 =	vmin.u32 v14, $0x3E7;
	v12 =	vld [tilespmem:s26+$0x470]  }
0x43: {  	v15 =	vld [tilespmem:s26+$0x0]  }
0x44: {  	v16 =	vld [tilespmem:s26+$0x10]  }
0x45: {  	v17 =	vld [tilespmem:s26+$0x20]  }
0x46: {  	v18 =	vld [tilespmem:s26+$0x30]  }
0x47: {  	v19 =	vld [tilespmem:s26+$0x40];
	v12 =	vmul.f32 $9.999999380e+02, v12  }
0x48: {  	v15 =	vmul.f32 $9.999999380e+02, v15;
	v20 =	vld [tilespmem:s26+$0x50]  }
0x49: {  	v16 =	vmul.f32 $9.999999380e+02, v16;
	v21 =	vld [tilespmem:s26+$0x60];
	v12 =	vtrunc.f32 v12  }
0x4a: {  	v17 =	vmul.f32 $9.999999380e+02, v17;
	v22 =	vld [tilespmem:s26+$0x70];
	v12 =	vcvt.f32.s32 v12  }
0x4b: {  	v15 =	vtrunc.f32 v15;
	v18 =	vmul.f32 $9.999999380e+02, v18;
	v23 =	vld [tilespmem:s26+$0x400]  }
0x4c: {  	v16 =	vtrunc.f32 v16;
	v19 =	vmul.f32 $9.999999380e+02, v19;
	v24 =	vld [tilespmem:s26+$0x410];
	v12 =	vmin.u32 v12, $0x3E7  }
0x4d: {  	v17 =	vtrunc.f32 v17;
	v20 =	vmul.f32 $9.999999380e+02, v20;
	v25 =	vld [tilespmem:s26+$0x420]  }
0x4e: {  	v18 =	vtrunc.f32 v18;
	v21 =	vmul.f32 $9.999999380e+02, v21;
	v26 =	vld [tilespmem:s26+$0x430]  }
0x4f: {  	v19 =	vtrunc.f32 v19;
	v22 =	vmul.f32 $9.999999380e+02, v22;
	v27 =	vld [tilespmem:s26+$0x440]  }
0x50: {  	v20 =	vtrunc.f32 v20;
	v23 =	vmul.f32 $9.999999380e+02, v23;
	v28 =	vld [tilespmem:s26+$0x450]  }
0x51: {  	v21 =	vtrunc.f32 v21;
	v24 =	vmul.f32 $9.999999380e+02, v24;
	[tilespmem:v12+s16+$0x0] =	vst.idx.add.f32.msk $0xffff, v1  }
0x52: {  	v12 =	vtrunc.f32 v22;
	v22 =	vmul.f32 $9.999999380e+02, v25;
	v25 =	vld [tilespmem:s26+$0x460]  }
0x53: {  	v23 =	vtrunc.f32 v23;
	v26 =	vmul.f32 $9.999999380e+02, v26;
	[tilespmem:v2+s16+$0x0] =	vst.idx.add.f32.msk $0xffff, v1  }
0x54: {  	v24 =	vtrunc.f32 v24;
	v2 =	vmul.f32 $9.999999380e+02, v27;
	[tilespmem:v3+s16+$0x0] =	vst.idx.add.f32.msk $0xffff, v1  }
0x55: {  	v3 =	vtrunc.f32 v22;
	v22 =	vmul.f32 $9.999999380e+02, v28;
	[tilespmem:v4+s16+$0x0] =	vst.idx.add.f32.msk $0xffff, v1  }
0x56: {  	v4 =	vtrunc.f32 v26;
	v26 =	vtrunc.f32 v2;
	[tilespmem:v6+s16+$0x0] =	vst.idx.add.f32.msk $0xffff, v1  }
0x57: {  	v22 =	vtrunc.f32 v22;
	v2 =	vmul.f32 $9.999999380e+02, v25;
	[tilespmem:v7+s16+$0x0] =	vst.idx.add.f32.msk $0xffff, v1  }
0x58: {  	v6 =	vcvt.f32.s32 v15;
	v7 =	vcvt.f32.s32 v16;
	[tilespmem:v11+s16+$0x0] =	vst.idx.add.f32.msk $0xffff, v1  }
0x59: {  	v11 =	vcvt.f32.s32 v17;
	v16 =	vtrunc.f32 v2;
	[tilespmem:v5+s16+$0x0] =	vst.idx.add.f32.msk $0xffff, v1  }
0x5a: {  	v15 =	vmin.u32 v6, $0x3E7;
	v17 =	vcvt.f32.s32 v19;
	v2 =	vcvt.f32.s32 v18;
	[tilespmem:v8+s16+$0x0] =	vst.idx.add.f32.msk $0xffff, v1  }
.Ltmp1:
0x5b: {  	v6 =	vmin.u32 v7, $0x3E7;
	v18 =	vcvt.f32.s32 v20;
	v7 =	vcvt.f32.s32 v21;
	[tilespmem:v9+s16+$0x0] =	vst.idx.add.f32.msk $0xffff, v1;
	(pc) =	sbr.rel @p0 .LBB2_5-.Ltmp1, $4  }
0x5c: {  	v12 =	vcvt.f32.s32 v12;
	v5 =	vmin.u32 v11, $0x3E7;
	v11 =	vcvt.f32.s32 v23;
	[tilespmem:v10+s16+$0x0] =	vst.idx.add.f32.msk $0xffff, v1  }
0x5d: {  	v8 =	vcvt.f32.s32 v3;
	v2 =	vmin.u32 v2, $0x3E7;
	v9 =	vcvt.f32.s32 v24;
	[tilespmem:v13+s16+$0x0] =	vst.idx.add.f32.msk $0xffff, v1  }
0x5e: {  	v3 =	vmin.u32 v17, $0x3E7;
	v10 =	vcvt.f32.s32 v26;
	v13 =	vcvt.f32.s32 v4;
	[tilespmem:v14+s16+$0x0] =	vst.idx.add.f32.msk $0xffff, v1  }
0x5f: {  	s24 =	sadd.s32 $0x8, s24;
	s25 =	sadd.s32 $0x800, s25;
	v4 =	vmin.u32 v18, $0x3E7;
	v14 =	vcvt.f32.s32 v16;
	[tilespmem:v15+s16+$0x0] =	vst.idx.add.f32.msk $0xffff, v1;
	v15 =	vcvt.f32.s32 v22  }
0x60: {  	_ =	sdelay $0x3  }
0x61: {  	[tilespmem:v6+s16+$0x0] =	vst.idx.add.f32.msk $0xffff, v1;
	v6 =	vmin.u32 v7, $0x3E7  }
0x62: {  	v7 =	vmin.u32 v12, $0x3E7;
	[tilespmem:v5+s16+$0x0] =	vst.idx.add.f32.msk $0xffff, v1  }
0x63: {  	v5 =	vmin.u32 v11, $0x3E7;
	[tilespmem:v2+s16+$0x0] =	vst.idx.add.f32.msk $0xffff, v1  }
0x64: {  	v2 =	vmin.u32 v9, $0x3E7;
	[tilespmem:v3+s16+$0x0] =	vst.idx.add.f32.msk $0xffff, v1  }
0x65: {  	v3 =	vmin.u32 v8, $0x3E7;
	[tilespmem:v4+s16+$0x0] =	vst.idx.add.f32.msk $0xffff, v1  }
0x66: {  	v4 =	vmin.u32 v13, $0x3E7;
	[tilespmem:v6+s16+$0x0] =	vst.idx.add.f32.msk $0xffff, v1  }
0x67: {  	v6 =	vmin.u32 v10, $0x3E7;
	[tilespmem:v7+s16+$0x0] =	vst.idx.add.f32.msk $0xffff, v1  }
0x68: {  	v7 =	vmin.u32 v15, $0x3E7;
	[tilespmem:v5+s16+$0x0] =	vst.idx.add.f32.msk $0xffff, v1  }
0x69: {  	v5 =	vmin.u32 v14, $0x3E7;
	[tilespmem:v2+s16+$0x0] =	vst.idx.add.f32.msk $0xffff, v1  }
0x6a: {  	[tilespmem:v3+s16+$0x0] =	vst.idx.add.f32.msk $0xffff, v1  }
0x6b: {  	[tilespmem:v4+s16+$0x0] =	vst.idx.add.f32.msk $0xffff, v1  }
0x6c: {  	[tilespmem:v6+s16+$0x0] =	vst.idx.add.f32.msk $0xffff, v1  }
0x6d: {  	s23 =	sshll.u32 s22, $0xD;
	p0 =	seq.s32 s22, $0xF;
	[tilespmem:v7+s16+$0x0] =	vst.idx.add.f32.msk $0xffff, v1  }
0x6e: {  	s24 =	sadd.s32 @!p0 s23, s5;
	s25 =	simm.s32 @!p0 $0x0;
	[tilespmem:v5+s16+$0x0] =	vst.idx.add.f32.msk $0xffff, v1  }
0x6f: {  	[tilespmem:s25], [sflag:$0x1] =	stream.linear.gather @!p0 [hbm4b:s24+s25], $0x8000, $0x38;
	[tilespmem:$0x10800] =	vst v63  }
0x70: {  	s30 =	simm.s32 $0x0;
	_ =	swait.ge [sflag:s17], $0x8000  }
0x71: {  	s31 =	sand.u32 $0x7800, s30;
	s24 =	sand.u32 $0x380, s30;
	[sflag:s17] =	ssyncset.done $0x0  }
0x72: {  	s24 =	sor.u32 s24, s31;
	[sflag:s17] =	ssyncadd.s32 $0xFFFF8000  }
0x73: {  	v2 =	vld [tilespmem:s24+$0x8470]  }
0x74: {  	v3 =	vld [tilespmem:s24+$0x8000]  }
0x75: {  	v4 =	vld [tilespmem:s24+$0x8010]  }
0x76: {  	v5 =	vld [tilespmem:s24+$0x8020]  }
0x77: {  	v6 =	vld [tilespmem:s24+$0x8030]  }
0x78: {  	v7 =	vld [tilespmem:s24+$0x8040]  }
0x79: {  	v8 =	vld [tilespmem:s24+$0x8050]  }
0x7a: {  	v9 =	vld [tilespmem:s24+$0x8060]  }
0x7b: {  	v10 =	vld [tilespmem:s24+$0x8070]  }
0x7c: {  	v11 =	vld [tilespmem:s24+$0x8400]  }
0x7d: {  	v12 =	vld [tilespmem:s24+$0x8410]  }
0x7e: {  	v13 =	vld [tilespmem:s24+$0x8420];
	v2 =	vmul.f32 $9.999999380e+02, v2  }
0x7f: {  	v14 =	vld [tilespmem:s24+$0x8430];
	v3 =	vmul.f32 $9.999999380e+02, v3;
	v4 =	vmul.f32 $9.999999380e+02, v4  }
0x80: {  	v5 =	vmul.f32 $9.999999380e+02, v5;
	v6 =	vmul.f32 $9.999999380e+02, v6  }
0x81: {  	v7 =	vmul.f32 $9.999999380e+02, v7;
	v8 =	vmul.f32 $9.999999380e+02, v8  }
0x82: {  	v9 =	vmul.f32 $9.999999380e+02, v9;
	v10 =	vmul.f32 $9.999999380e+02, v10  }
0x83: {  	v11 =	vmul.f32 $9.999999380e+02, v11;
	v12 =	vmul.f32 $9.999999380e+02, v12  }
0x84: {  	v13 =	vmul.f32 $9.999999380e+02, v13;
	v14 =	vmul.f32 $9.999999380e+02, v14  }
0x85: {  	v15 =	vld [tilespmem:s24+$0x8440];
	v2 =	vtrunc.f32 v2;
	v3 =	vtrunc.f32 v3  }
0x86: {  	v16 =	vld [tilespmem:s24+$0x8450];
	v4 =	vtrunc.f32 v4;
	v5 =	vtrunc.f32 v5  }
0x87: {  	v6 =	vtrunc.f32 v6;
	v7 =	vtrunc.f32 v7  }
0x88: {  	v8 =	vtrunc.f32 v8;
	v9 =	vtrunc.f32 v9  }
0x89: {  	v10 =	vtrunc.f32 v10;
	v11 =	vtrunc.f32 v11  }
0x8a: {  	v18 =	vtrunc.f32 v12;
	v12 =	vmul.f32 $9.999999380e+02, v15  }
0x8b: {  	v17 =	vld [tilespmem:s24+$0x8460];
	v13 =	vtrunc.f32 v13;
	v15 =	vmul.f32 $9.999999380e+02, v16  }
0x8c: {  	v14 =	vtrunc.f32 v14;
	v2 =	vcvt.f32.s32 v2  }
0x8d: {  	v3 =	vcvt.f32.s32 v3;
	v4 =	vcvt.f32.s32 v4  }
0x8e: {  	v21 =	vcvt.f32.s32 v7;
	v7 =	vcvt.f32.s32 v9  }
0x8f: {  	v11 =	vcvt.f32.s32 v11;
	v9 =	vcvt.f32.s32 v18  }
0x90: {  	v16 =	vtrunc.f32 v12;
	v12 =	vmul.f32 $9.999999380e+02, v17;
	v17 =	vmin.u32 v2, $0x3E7  }
0x91: {  	v15 =	vtrunc.f32 v15;
	v2 =	vcvt.f32.s32 v5;
	v20 =	vmin.u32 v3, $0x3E7  }
0x92: {  	v3 =	vcvt.f32.s32 v6;
	v6 =	vmin.u32 v4, $0x3E7;
	v4 =	vcvt.f32.s32 v8  }
0x93: {  	v8 =	vcvt.f32.s32 v13;
	v13 =	vcvt.f32.s32 v14;
	v5 =	vmin.u32 v2, $0x3E7  }
0x94: {  	v15 =	vcvt.f32.s32 v15;
	v19 =	vtrunc.f32 v12  }
0x95: {  	v12 =	vcvt.f32.s32 v10;
	v10 =	vcvt.f32.s32 v16;
	v2 =	vmin.u32 v3, $0x3E7;
	[tilespmem:v17+s16+$0x0] =	vst.idx.add.f32.msk $0xffff, v1  }
0x96: {  	s26 =	simm.s32 $0x800;
	s25 =	simm.s32 $0x8;
	s24 =	simm.s32 $0x0;
	v3 =	vmin.u32 v21, $0x3E7;
	v4 =	vmin.u32 v4, $0x3E7;
	v14 =	vcvt.f32.s32 v19;
	[tilespmem:v20+s16+$0x0] =	vst.idx.add.f32.msk $0xffff, v1  }
.LBB2_7:
0x97: {  	s28 =	sand.u32 $0x7800, s26;
	s29 =	sand.u32 $0x380, s25;
	s24 =	sadd.s32 $0x10, s24;
	[tilespmem:v6+s16+$0x0] =	vst.idx.add.f32.msk $0xffff, v1;
	v6 =	vmin.u32 v7, $0x3E7;
	v7 =	vmin.u32 v12, $0x3E7;
	v11 =	vmin.u32 v11, $0x3E7  }
0x98: {  	v8 =	vmin.u32 v8, $0x3E7;
	s28 =	sor.u32 s29, s28;
	p1 =	slt.u32 s24, $0x7F0;
	[tilespmem:v5+s16+$0x0] =	vst.idx.add.f32.msk $0xffff, v1;
	v5 =	vmin.u32 v9, $0x3E7;
	v9 =	vmin.u32 v13, $0x3E7  }
0x99: {  	v10 =	vmin.u32 v10, $0x3E7;
	v13 =	vmin.u32 v15, $0x3E7;
	v14 =	vmin.u32 v14, $0x3E7;
	v12 =	vld [tilespmem:s28+$0x8470]  }
0x9a: {  	v15 =	vld [tilespmem:s28+$0x8000]  }
0x9b: {  	v16 =	vld [tilespmem:s28+$0x8010]  }
0x9c: {  	v17 =	vld [tilespmem:s28+$0x8020]  }
0x9d: {  	v18 =	vld [tilespmem:s28+$0x8030]  }
0x9e: {  	v19 =	vld [tilespmem:s28+$0x8040];
	v12 =	vmul.f32 $9.999999380e+02, v12  }
0x9f: {  	v15 =	vmul.f32 $9.999999380e+02, v15;
	v20 =	vld [tilespmem:s28+$0x8050]  }
0xa0: {  	v16 =	vmul.f32 $9.999999380e+02, v16;
	v21 =	vld [tilespmem:s28+$0x8060];
	v12 =	vtrunc.f32 v12  }
0xa1: {  	v17 =	vmul.f32 $9.999999380e+02, v17;
	v22 =	vld [tilespmem:s28+$0x8070];
	v12 =	vcvt.f32.s32 v12  }
0xa2: {  	v15 =	vtrunc.f32 v15;
	v18 =	vmul.f32 $9.999999380e+02, v18;
	v23 =	vld [tilespmem:s28+$0x8400]  }
0xa3: {  	v16 =	vtrunc.f32 v16;
	v19 =	vmul.f32 $9.999999380e+02, v19;
	v24 =	vld [tilespmem:s28+$0x8410];
	v12 =	vmin.u32 v12, $0x3E7  }
0xa4: {  	v17 =	vtrunc.f32 v17;
	v20 =	vmul.f32 $9.999999380e+02, v20;
	v25 =	vld [tilespmem:s28+$0x8420]  }
0xa5: {  	v18 =	vtrunc.f32 v18;
	v21 =	vmul.f32 $9.999999380e+02, v21;
	v26 =	vld [tilespmem:s28+$0x8430]  }
0xa6: {  	v19 =	vtrunc.f32 v19;
	v22 =	vmul.f32 $9.999999380e+02, v22;
	v27 =	vld [tilespmem:s28+$0x8440]  }
0xa7: {  	v20 =	vtrunc.f32 v20;
	v23 =	vmul.f32 $9.999999380e+02, v23;
	v28 =	vld [tilespmem:s28+$0x8450]  }
0xa8: {  	v21 =	vtrunc.f32 v21;
	v24 =	vmul.f32 $9.999999380e+02, v24;
	[tilespmem:v12+s16+$0x0] =	vst.idx.add.f32.msk $0xffff, v1  }
0xa9: {  	v12 =	vtrunc.f32 v22;
	v22 =	vmul.f32 $9.999999380e+02, v25;
	v25 =	vld [tilespmem:s28+$0x8460]  }
0xaa: {  	v23 =	vtrunc.f32 v23;
	v26 =	vmul.f32 $9.999999380e+02, v26;
	[tilespmem:v2+s16+$0x0] =	vst.idx.add.f32.msk $0xffff, v1  }
0xab: {  	v24 =	vtrunc.f32 v24;
	v2 =	vmul.f32 $9.999999380e+02, v27;
	[tilespmem:v3+s16+$0x0] =	vst.idx.add.f32.msk $0xffff, v1  }
0xac: {  	v3 =	vtrunc.f32 v22;
	v22 =	vmul.f32 $9.999999380e+02, v28;
	[tilespmem:v4+s16+$0x0] =	vst.idx.add.f32.msk $0xffff, v1  }
0xad: {  	v4 =	vtrunc.f32 v26;
	v26 =	vtrunc.f32 v2;
	[tilespmem:v6+s16+$0x0] =	vst.idx.add.f32.msk $0xffff, v1  }
0xae: {  	v22 =	vtrunc.f32 v22;
	v2 =	vmul.f32 $9.999999380e+02, v25;
	[tilespmem:v7+s16+$0x0] =	vst.idx.add.f32.msk $0xffff, v1  }
0xaf: {  	v6 =	vcvt.f32.s32 v15;
	v7 =	vcvt.f32.s32 v16;
	[tilespmem:v11+s16+$0x0] =	vst.idx.add.f32.msk $0xffff, v1  }
0xb0: {  	v11 =	vcvt.f32.s32 v17;
	v16 =	vtrunc.f32 v2;
	[tilespmem:v5+s16+$0x0] =	vst.idx.add.f32.msk $0xffff, v1  }
0xb1: {  	v15 =	vmin.u32 v6, $0x3E7;
	v17 =	vcvt.f32.s32 v19;
	v2 =	vcvt.f32.s32 v18;
	[tilespmem:v8+s16+$0x0] =	vst.idx.add.f32.msk $0xffff, v1  }
.Ltmp2:
0xb2: {  	v6 =	vmin.u32 v7, $0x3E7;
	v18 =	vcvt.f32.s32 v20;
	v7 =	vcvt.f32.s32 v21;
	[tilespmem:v9+s16+$0x0] =	vst.idx.add.f32.msk $0xffff, v1;
	(pc) =	sbr.rel @p1 .LBB2_7-.Ltmp2, $4  }
0xb3: {  	v12 =	vcvt.f32.s32 v12;
	v5 =	vmin.u32 v11, $0x3E7;
	v11 =	vcvt.f32.s32 v23;
	[tilespmem:v10+s16+$0x0] =	vst.idx.add.f32.msk $0xffff, v1  }
0xb4: {  	v8 =	vcvt.f32.s32 v3;
	v2 =	vmin.u32 v2, $0x3E7;
	v9 =	vcvt.f32.s32 v24;
	[tilespmem:v13+s16+$0x0] =	vst.idx.add.f32.msk $0xffff, v1  }
0xb5: {  	v3 =	vmin.u32 v17, $0x3E7;
	v10 =	vcvt.f32.s32 v26;
	v13 =	vcvt.f32.s32 v4;
	[tilespmem:v14+s16+$0x0] =	vst.idx.add.f32.msk $0xffff, v1  }
0xb6: {  	s25 =	sadd.s32 $0x8, s25;
	s26 =	sadd.s32 $0x800, s26;
	v4 =	vmin.u32 v18, $0x3E7;
	v14 =	vcvt.f32.s32 v16;
	[tilespmem:v15+s16+$0x0] =	vst.idx.add.f32.msk $0xffff, v1;
	v15 =	vcvt.f32.s32 v22  }
0xb7: {  	_ =	sdelay $0x3  }
0xb8: {  	[tilespmem:v6+s16+$0x0] =	vst.idx.add.f32.msk $0xffff, v1;
	v57 =	vmin.u32 v7, $0x3E7  }
0xb9: {  	v58 =	vmin.u32 v12, $0x3E7;
	[tilespmem:v5+s16+$0x0] =	vst.idx.add.f32.msk $0xffff, v1  }
0xba: {  	v59 =	vmin.u32 v11, $0x3E7;
	[tilespmem:v2+s16+$0x0] =	vst.idx.add.f32.msk $0xffff, v1  }
0xbb: {  	v2 =	vmin.u32 v9, $0x3E7;
	[tilespmem:v3+s16+$0x0] =	vst.idx.add.f32.msk $0xffff, v1  }
0xbc: {  	v3 =	vmin.u32 v8, $0x3E7;
	[tilespmem:v4+s16+$0x0] =	vst.idx.add.f32.msk $0xffff, v1  }
0xbd: {  	v60 =	vmin.u32 v13, $0x3E7;
	[tilespmem:v57+s16+$0x0] =	vst.idx.add.f32.msk $0xffff, v1  }
0xbe: {  	v61 =	vmin.u32 v10, $0x3E7;
	[tilespmem:v58+s16+$0x0] =	vst.idx.add.f32.msk $0xffff, v1  }
0xbf: {  	v62 =	vmin.u32 v15, $0x3E7;
	[tilespmem:v59+s16+$0x0] =	vst.idx.add.f32.msk $0xffff, v1  }
0xc0: {  	v63 =	vmin.u32 v14, $0x3E7;
	[tilespmem:v2+s16+$0x0] =	vst.idx.add.f32.msk $0xffff, v1  }
.Ltmp3:
0xc1: {  	[tilespmem:v3+s16+$0x0] =	vst.idx.add.f32.msk $0xffff, v1;
	(pc) =	sbr.rel @p0 .LBB2_10-.Ltmp3, $4  }
0xc2: {  	[tilespmem:v60+s16+$0x0] =	vst.idx.add.f32.msk $0xffff, v1  }
0xc3: {  	[tilespmem:v61+s16+$0x0] =	vst.idx.add.f32.msk $0xffff, v1  }
0xc4: {  	[tilespmem:v62+s16+$0x0] =	vst.idx.add.f32.msk $0xffff, v1  }
0xc5: {  	[tilespmem:v63+s16+$0x0] =	vst.idx.add.f32.msk $0xffff, v1  }
.Ltmp4:
0xc6: {  	(pc) =	sbr.rel .LBB2_4-.Ltmp4, $3  }
0xc7: {  	_ =	sdelay $0x1  }
0xc8: {  	s23 =	sadd.s32 s23, s6;
	s22 =	sadd.s32 $0x1, s22  }
0xc9: {  	[tilespmem:s14], [sflag:$0x2] =	stream.linear.gather [hbm4b:s23+s2], $0x8000, $0x38;
	[tilespmem:$0x10800] =	vst v63  }
.LBB2_10:
0xca: {  	s21 =	simm.s32 $0x0  }
0xcb: {  	s22 =	simm.s32 $0x40;
	v2 =	vld [tilespmem:s21+$0x10000]  }
.LBB2_11:
0xcc: {  	p0 =	sne.s32 s22, $0xFC0  }
.Ltmp5:
0xcd: {  	_ = 	snop;
	(pc) =	sbr.rel @p0 .LBB2_11-.Ltmp5, $3  }
0xce: {  	_ =	sdelay $0x1  }
0xcf: {  	[tilespmem:s21+$0x10400] =	vst v2;
	s21 =	sshra.s32 s22, $0x2;
	s22 =	sadd.s32 $0x40, s22  }
0xd0: {  	v2 =	vld [tilespmem:s21+$0x10000]  }
0xd1: {  	_ =	sdelay $0x3  }
0xd2: {  	s31 =	simm.s32 $0x0;
	[tilespmem:s21+$0x10400] =	vst v2  }
0xd3: {  	[hbm4b:s7+s31] =	stream.linear.scatter [tilespmem:s18], [sflag:$0x3], $0x400, $0x38;
	[tilespmem:$0x10800] =	vst v63  }
0xd4: {  	_ =	swait.ge [sflag:s19], $0x400  }
0xd5: {  	[sflag:s19] =	ssyncset.done $0x0  }
0xd6: {  	s22 =	simm.s32 $0x0;
	s21 =	simm.s32 $0x40;
	[sflag:s19] =	ssyncadd.s32 $0xFFFFFC00  }
.LBB2_13:
0xd7: {  	p0 =	sne.s32 s21, $0xFC0;
	[tilespmem:s22+$0x10000] =	vst v0;
	s22 =	smov.u32 s21;
	s21 =	sadd.s32 $0x40, s21  }
.Ltmp6:
0xd8: {  	(pc) =	sbr.rel @p0 .LBB2_13-.Ltmp6, $2  }
0xd9: {  	_ =	sdelay $0x2  }
0xda: {  	s22 =	sshra.s32 s22, $0x2  }
0xdb: {  	[tilespmem:s22+$0x10000] =	vst v0;
	s21 =	simm.s32 $0x0  }
0xdc: {  	[tilespmem:s21], [sflag:$0x1] =	stream.linear.gather [hbm4b:s8+s21], $0x8000, $0x38;
	[tilespmem:$0x10800] =	vst v63  }
0xdd: {  	s22 =	simm.s32 $0x0  }
0xde: {  	[tilespmem:s14], [sflag:$0x2] =	stream.linear.gather [hbm4b:s9+s21], $0x8000, $0x38;
	[tilespmem:$0x10800] =	vst v63  }
.LBB2_15:
0xdf: {  	_ =	swait.ge [sflag:s15], $0x8000  }
0xe0: {  	s23 =	sand.u32 $0x7800, s21;
	s24 =	sand.u32 $0x380, s21;
	[sflag:s15] =	ssyncset.done $0x0  }
0xe1: {  	s23 =	sor.u32 s24, s23;
	[sflag:s15] =	ssyncadd.s32 $0xFFFF8000  }
0xe2: {  	v2 =	vld [tilespmem:s23+$0x470]  }
0xe3: {  	v3 =	vld [tilespmem:s23+$0x0]  }
0xe4: {  	v4 =	vld [tilespmem:s23+$0x10]  }
0xe5: {  	v5 =	vld [tilespmem:s23+$0x20]  }
0xe6: {  	v6 =	vld [tilespmem:s23+$0x30]  }
0xe7: {  	v7 =	vld [tilespmem:s23+$0x40]  }
0xe8: {  	v8 =	vld [tilespmem:s23+$0x50]  }
0xe9: {  	v9 =	vld [tilespmem:s23+$0x60]  }
0xea: {  	v10 =	vld [tilespmem:s23+$0x70]  }
0xeb: {  	v11 =	vld [tilespmem:s23+$0x400]  }
0xec: {  	v12 =	vld [tilespmem:s23+$0x410]  }
0xed: {  	v13 =	vld [tilespmem:s23+$0x420];
	v2 =	vmul.f32 $9.999999380e+02, v2  }
0xee: {  	v14 =	vld [tilespmem:s23+$0x430];
	v3 =	vmul.f32 $9.999999380e+02, v3;
	v4 =	vmul.f32 $9.999999380e+02, v4  }
0xef: {  	v5 =	vmul.f32 $9.999999380e+02, v5;
	v6 =	vmul.f32 $9.999999380e+02, v6  }
0xf0: {  	v7 =	vmul.f32 $9.999999380e+02, v7;
	v8 =	vmul.f32 $9.999999380e+02, v8  }
0xf1: {  	v9 =	vmul.f32 $9.999999380e+02, v9;
	v10 =	vmul.f32 $9.999999380e+02, v10  }
0xf2: {  	v11 =	vmul.f32 $9.999999380e+02, v11;
	v12 =	vmul.f32 $9.999999380e+02, v12  }
0xf3: {  	v13 =	vmul.f32 $9.999999380e+02, v13;
	v14 =	vmul.f32 $9.999999380e+02, v14  }
0xf4: {  	v15 =	vld [tilespmem:s23+$0x440];
	v2 =	vtrunc.f32 v2;
	v3 =	vtrunc.f32 v3  }
0xf5: {  	v16 =	vld [tilespmem:s23+$0x450];
	v4 =	vtrunc.f32 v4;
	v5 =	vtrunc.f32 v5  }
0xf6: {  	v6 =	vtrunc.f32 v6;
	v7 =	vtrunc.f32 v7  }
0xf7: {  	v8 =	vtrunc.f32 v8;
	v9 =	vtrunc.f32 v9  }
0xf8: {  	v10 =	vtrunc.f32 v10;
	v11 =	vtrunc.f32 v11  }
0xf9: {  	v18 =	vtrunc.f32 v12;
	v12 =	vmul.f32 $9.999999380e+02, v15  }
0xfa: {  	v17 =	vld [tilespmem:s23+$0x460];
	v13 =	vtrunc.f32 v13;
	v15 =	vmul.f32 $9.999999380e+02, v16  }
0xfb: {  	v14 =	vtrunc.f32 v14;
	v2 =	vcvt.f32.s32 v2  }
0xfc: {  	v3 =	vcvt.f32.s32 v3;
	v4 =	vcvt.f32.s32 v4  }
0xfd: {  	v21 =	vcvt.f32.s32 v7;
	v7 =	vcvt.f32.s32 v9  }
0xfe: {  	v11 =	vcvt.f32.s32 v11;
	v9 =	vcvt.f32.s32 v18  }
0xff: {  	v16 =	vtrunc.f32 v12;
	v12 =	vmul.f32 $9.999999380e+02, v17;
	v17 =	vmin.u32 v2, $0x3E7  }
0x100: {  	v15 =	vtrunc.f32 v15;
	v2 =	vcvt.f32.s32 v5;
	v20 =	vmin.u32 v3, $0x3E7  }
0x101: {  	v3 =	vcvt.f32.s32 v6;
	v6 =	vmin.u32 v4, $0x3E7;
	v4 =	vcvt.f32.s32 v8  }
0x102: {  	v8 =	vcvt.f32.s32 v13;
	v13 =	vcvt.f32.s32 v14;
	v5 =	vmin.u32 v2, $0x3E7  }
0x103: {  	v15 =	vcvt.f32.s32 v15;
	v19 =	vtrunc.f32 v12  }
0x104: {  	v12 =	vcvt.f32.s32 v10;
	v10 =	vcvt.f32.s32 v16;
	v2 =	vmin.u32 v3, $0x3E7;
	[tilespmem:v17+s16+$0x0] =	vst.idx.add.f32.msk $0xffff, v1  }
0x105: {  	s25 =	simm.s32 $0x800;
	s24 =	simm.s32 $0x8;
	s23 =	simm.s32 $0x0;
	v3 =	vmin.u32 v21, $0x3E7;
	v4 =	vmin.u32 v4, $0x3E7;
	v14 =	vcvt.f32.s32 v19;
	[tilespmem:v20+s16+$0x0] =	vst.idx.add.f32.msk $0xffff, v1  }
.LBB2_16:
0x106: {  	s26 =	sand.u32 $0x7800, s25;
	s28 =	sand.u32 $0x380, s24;
	s23 =	sadd.s32 $0x10, s23;
	[tilespmem:v6+s16+$0x0] =	vst.idx.add.f32.msk $0xffff, v1;
	v6 =	vmin.u32 v7, $0x3E7;
	v7 =	vmin.u32 v12, $0x3E7;
	v11 =	vmin.u32 v11, $0x3E7  }
0x107: {  	v8 =	vmin.u32 v8, $0x3E7;
	s26 =	sor.u32 s28, s26;
	p0 =	slt.u32 s23, $0x7F0;
	[tilespmem:v5+s16+$0x0] =	vst.idx.add.f32.msk $0xffff, v1;
	v5 =	vmin.u32 v9, $0x3E7;
	v9 =	vmin.u32 v13, $0x3E7  }
0x108: {  	v10 =	vmin.u32 v10, $0x3E7;
	v13 =	vmin.u32 v15, $0x3E7;
	v14 =	vmin.u32 v14, $0x3E7;
	v12 =	vld [tilespmem:s26+$0x470]  }
0x109: {  	v15 =	vld [tilespmem:s26+$0x0]  }
0x10a: {  	v16 =	vld [tilespmem:s26+$0x10]  }
0x10b: {  	v17 =	vld [tilespmem:s26+$0x20]  }
0x10c: {  	v18 =	vld [tilespmem:s26+$0x30]  }
0x10d: {  	v19 =	vld [tilespmem:s26+$0x40];
	v12 =	vmul.f32 $9.999999380e+02, v12  }
0x10e: {  	v15 =	vmul.f32 $9.999999380e+02, v15;
	v20 =	vld [tilespmem:s26+$0x50]  }
0x10f: {  	v16 =	vmul.f32 $9.999999380e+02, v16;
	v21 =	vld [tilespmem:s26+$0x60];
	v12 =	vtrunc.f32 v12  }
0x110: {  	v17 =	vmul.f32 $9.999999380e+02, v17;
	v22 =	vld [tilespmem:s26+$0x70];
	v12 =	vcvt.f32.s32 v12  }
0x111: {  	v15 =	vtrunc.f32 v15;
	v18 =	vmul.f32 $9.999999380e+02, v18;
	v23 =	vld [tilespmem:s26+$0x400]  }
0x112: {  	v16 =	vtrunc.f32 v16;
	v19 =	vmul.f32 $9.999999380e+02, v19;
	v24 =	vld [tilespmem:s26+$0x410];
	v12 =	vmin.u32 v12, $0x3E7  }
0x113: {  	v17 =	vtrunc.f32 v17;
	v20 =	vmul.f32 $9.999999380e+02, v20;
	v25 =	vld [tilespmem:s26+$0x420]  }
0x114: {  	v18 =	vtrunc.f32 v18;
	v21 =	vmul.f32 $9.999999380e+02, v21;
	v26 =	vld [tilespmem:s26+$0x430]  }
0x115: {  	v19 =	vtrunc.f32 v19;
	v22 =	vmul.f32 $9.999999380e+02, v22;
	v27 =	vld [tilespmem:s26+$0x440]  }
0x116: {  	v20 =	vtrunc.f32 v20;
	v23 =	vmul.f32 $9.999999380e+02, v23;
	v28 =	vld [tilespmem:s26+$0x450]  }
0x117: {  	v21 =	vtrunc.f32 v21;
	v24 =	vmul.f32 $9.999999380e+02, v24;
	[tilespmem:v12+s16+$0x0] =	vst.idx.add.f32.msk $0xffff, v1  }
0x118: {  	v12 =	vtrunc.f32 v22;
	v22 =	vmul.f32 $9.999999380e+02, v25;
	v25 =	vld [tilespmem:s26+$0x460]  }
0x119: {  	v23 =	vtrunc.f32 v23;
	v26 =	vmul.f32 $9.999999380e+02, v26;
	[tilespmem:v2+s16+$0x0] =	vst.idx.add.f32.msk $0xffff, v1  }
0x11a: {  	v24 =	vtrunc.f32 v24;
	v2 =	vmul.f32 $9.999999380e+02, v27;
	[tilespmem:v3+s16+$0x0] =	vst.idx.add.f32.msk $0xffff, v1  }
0x11b: {  	v3 =	vtrunc.f32 v22;
	v22 =	vmul.f32 $9.999999380e+02, v28;
	[tilespmem:v4+s16+$0x0] =	vst.idx.add.f32.msk $0xffff, v1  }
0x11c: {  	v4 =	vtrunc.f32 v26;
	v26 =	vtrunc.f32 v2;
	[tilespmem:v6+s16+$0x0] =	vst.idx.add.f32.msk $0xffff, v1  }
0x11d: {  	v22 =	vtrunc.f32 v22;
	v2 =	vmul.f32 $9.999999380e+02, v25;
	[tilespmem:v7+s16+$0x0] =	vst.idx.add.f32.msk $0xffff, v1  }
0x11e: {  	v6 =	vcvt.f32.s32 v15;
	v7 =	vcvt.f32.s32 v16;
	[tilespmem:v11+s16+$0x0] =	vst.idx.add.f32.msk $0xffff, v1  }
0x11f: {  	v11 =	vcvt.f32.s32 v17;
	v16 =	vtrunc.f32 v2;
	[tilespmem:v5+s16+$0x0] =	vst.idx.add.f32.msk $0xffff, v1  }
0x120: {  	v15 =	vmin.u32 v6, $0x3E7;
	v17 =	vcvt.f32.s32 v19;
	v2 =	vcvt.f32.s32 v18;
	[tilespmem:v8+s16+$0x0] =	vst.idx.add.f32.msk $0xffff, v1  }
.Ltmp7:
0x121: {  	v6 =	vmin.u32 v7, $0x3E7;
	v18 =	vcvt.f32.s32 v20;
	v7 =	vcvt.f32.s32 v21;
	[tilespmem:v9+s16+$0x0] =	vst.idx.add.f32.msk $0xffff, v1;
	(pc) =	sbr.rel @p0 .LBB2_16-.Ltmp7, $4  }
0x122: {  	v12 =	vcvt.f32.s32 v12;
	v5 =	vmin.u32 v11, $0x3E7;
	v11 =	vcvt.f32.s32 v23;
	[tilespmem:v10+s16+$0x0] =	vst.idx.add.f32.msk $0xffff, v1  }
0x123: {  	v8 =	vcvt.f32.s32 v3;
	v2 =	vmin.u32 v2, $0x3E7;
	v9 =	vcvt.f32.s32 v24;
	[tilespmem:v13+s16+$0x0] =	vst.idx.add.f32.msk $0xffff, v1  }
0x124: {  	v3 =	vmin.u32 v17, $0x3E7;
	v10 =	vcvt.f32.s32 v26;
	v13 =	vcvt.f32.s32 v4;
	[tilespmem:v14+s16+$0x0] =	vst.idx.add.f32.msk $0xffff, v1  }
0x125: {  	s24 =	sadd.s32 $0x8, s24;
	s25 =	sadd.s32 $0x800, s25;
	v4 =	vmin.u32 v18, $0x3E7;
	v14 =	vcvt.f32.s32 v16;
	[tilespmem:v15+s16+$0x0] =	vst.idx.add.f32.msk $0xffff, v1;
	v15 =	vcvt.f32.s32 v22  }
0x126: {  	_ =	sdelay $0x3  }
0x127: {  	[tilespmem:v6+s16+$0x0] =	vst.idx.add.f32.msk $0xffff, v1;
	v6 =	vmin.u32 v7, $0x3E7  }
0x128: {  	v7 =	vmin.u32 v12, $0x3E7;
	[tilespmem:v5+s16+$0x0] =	vst.idx.add.f32.msk $0xffff, v1  }
0x129: {  	v5 =	vmin.u32 v11, $0x3E7;
	[tilespmem:v2+s16+$0x0] =	vst.idx.add.f32.msk $0xffff, v1  }
0x12a: {  	v2 =	vmin.u32 v9, $0x3E7;
	[tilespmem:v3+s16+$0x0] =	vst.idx.add.f32.msk $0xffff, v1  }
0x12b: {  	v3 =	vmin.u32 v8, $0x3E7;
	[tilespmem:v4+s16+$0x0] =	vst.idx.add.f32.msk $0xffff, v1  }
0x12c: {  	v4 =	vmin.u32 v13, $0x3E7;
	[tilespmem:v6+s16+$0x0] =	vst.idx.add.f32.msk $0xffff, v1  }
0x12d: {  	v6 =	vmin.u32 v10, $0x3E7;
	[tilespmem:v7+s16+$0x0] =	vst.idx.add.f32.msk $0xffff, v1  }
0x12e: {  	v7 =	vmin.u32 v15, $0x3E7;
	[tilespmem:v5+s16+$0x0] =	vst.idx.add.f32.msk $0xffff, v1  }
0x12f: {  	v5 =	vmin.u32 v14, $0x3E7;
	[tilespmem:v2+s16+$0x0] =	vst.idx.add.f32.msk $0xffff, v1  }
0x130: {  	[tilespmem:v3+s16+$0x0] =	vst.idx.add.f32.msk $0xffff, v1  }
0x131: {  	[tilespmem:v4+s16+$0x0] =	vst.idx.add.f32.msk $0xffff, v1  }
0x132: {  	[tilespmem:v6+s16+$0x0] =	vst.idx.add.f32.msk $0xffff, v1  }
0x133: {  	s23 =	sshll.u32 s22, $0xD;
	p0 =	seq.s32 s22, $0xF;
	[tilespmem:v7+s16+$0x0] =	vst.idx.add.f32.msk $0xffff, v1  }
0x134: {  	s24 =	sadd.s32 @!p0 s23, s10;
	s25 =	simm.s32 @!p0 $0x0;
	[tilespmem:v5+s16+$0x0] =	vst.idx.add.f32.msk $0xffff, v1  }
0x135: {  	[tilespmem:s25], [sflag:$0x1] =	stream.linear.gather @!p0 [hbm4b:s24+s25], $0x8000, $0x38;
	[tilespmem:$0x10800] =	vst v63  }
0x136: {  	s30 =	simm.s32 $0x0;
	_ =	swait.ge [sflag:s17], $0x8000  }
0x137: {  	s31 =	sand.u32 $0x7800, s30;
	s24 =	sand.u32 $0x380, s30;
	[sflag:s17] =	ssyncset.done $0x0  }
0x138: {  	s24 =	sor.u32 s24, s31;
	[sflag:s17] =	ssyncadd.s32 $0xFFFF8000  }
0x139: {  	v2 =	vld [tilespmem:s24+$0x8470]  }
0x13a: {  	v3 =	vld [tilespmem:s24+$0x8000]  }
0x13b: {  	v4 =	vld [tilespmem:s24+$0x8010]  }
0x13c: {  	v5 =	vld [tilespmem:s24+$0x8020]  }
0x13d: {  	v6 =	vld [tilespmem:s24+$0x8030]  }
0x13e: {  	v7 =	vld [tilespmem:s24+$0x8040]  }
0x13f: {  	v8 =	vld [tilespmem:s24+$0x8050]  }
0x140: {  	v9 =	vld [tilespmem:s24+$0x8060]  }
0x141: {  	v10 =	vld [tilespmem:s24+$0x8070]  }
0x142: {  	v11 =	vld [tilespmem:s24+$0x8400]  }
0x143: {  	v12 =	vld [tilespmem:s24+$0x8410]  }
0x144: {  	v13 =	vld [tilespmem:s24+$0x8420];
	v2 =	vmul.f32 $9.999999380e+02, v2  }
0x145: {  	v14 =	vld [tilespmem:s24+$0x8430];
	v3 =	vmul.f32 $9.999999380e+02, v3;
	v4 =	vmul.f32 $9.999999380e+02, v4  }
0x146: {  	v5 =	vmul.f32 $9.999999380e+02, v5;
	v6 =	vmul.f32 $9.999999380e+02, v6  }
0x147: {  	v7 =	vmul.f32 $9.999999380e+02, v7;
	v8 =	vmul.f32 $9.999999380e+02, v8  }
0x148: {  	v9 =	vmul.f32 $9.999999380e+02, v9;
	v10 =	vmul.f32 $9.999999380e+02, v10  }
0x149: {  	v11 =	vmul.f32 $9.999999380e+02, v11;
	v12 =	vmul.f32 $9.999999380e+02, v12  }
0x14a: {  	v13 =	vmul.f32 $9.999999380e+02, v13;
	v14 =	vmul.f32 $9.999999380e+02, v14  }
0x14b: {  	v15 =	vld [tilespmem:s24+$0x8440];
	v2 =	vtrunc.f32 v2;
	v3 =	vtrunc.f32 v3  }
0x14c: {  	v16 =	vld [tilespmem:s24+$0x8450];
	v4 =	vtrunc.f32 v4;
	v5 =	vtrunc.f32 v5  }
0x14d: {  	v6 =	vtrunc.f32 v6;
	v7 =	vtrunc.f32 v7  }
0x14e: {  	v8 =	vtrunc.f32 v8;
	v9 =	vtrunc.f32 v9  }
0x14f: {  	v10 =	vtrunc.f32 v10;
	v11 =	vtrunc.f32 v11  }
0x150: {  	v18 =	vtrunc.f32 v12;
	v12 =	vmul.f32 $9.999999380e+02, v15  }
0x151: {  	v17 =	vld [tilespmem:s24+$0x8460];
	v13 =	vtrunc.f32 v13;
	v15 =	vmul.f32 $9.999999380e+02, v16  }
0x152: {  	v14 =	vtrunc.f32 v14;
	v2 =	vcvt.f32.s32 v2  }
0x153: {  	v3 =	vcvt.f32.s32 v3;
	v4 =	vcvt.f32.s32 v4  }
0x154: {  	v21 =	vcvt.f32.s32 v7;
	v7 =	vcvt.f32.s32 v9  }
0x155: {  	v11 =	vcvt.f32.s32 v11;
	v9 =	vcvt.f32.s32 v18  }
0x156: {  	v16 =	vtrunc.f32 v12;
	v12 =	vmul.f32 $9.999999380e+02, v17;
	v17 =	vmin.u32 v2, $0x3E7  }
0x157: {  	v15 =	vtrunc.f32 v15;
	v2 =	vcvt.f32.s32 v5;
	v20 =	vmin.u32 v3, $0x3E7  }
0x158: {  	v3 =	vcvt.f32.s32 v6;
	v6 =	vmin.u32 v4, $0x3E7;
	v4 =	vcvt.f32.s32 v8  }
0x159: {  	v8 =	vcvt.f32.s32 v13;
	v13 =	vcvt.f32.s32 v14;
	v5 =	vmin.u32 v2, $0x3E7  }
0x15a: {  	v15 =	vcvt.f32.s32 v15;
	v19 =	vtrunc.f32 v12  }
0x15b: {  	v12 =	vcvt.f32.s32 v10;
	v10 =	vcvt.f32.s32 v16;
	v2 =	vmin.u32 v3, $0x3E7;
	[tilespmem:v17+s16+$0x0] =	vst.idx.add.f32.msk $0xffff, v1  }
0x15c: {  	s26 =	simm.s32 $0x800;
	s25 =	simm.s32 $0x8;
	s24 =	simm.s32 $0x0;
	v3 =	vmin.u32 v21, $0x3E7;
	v4 =	vmin.u32 v4, $0x3E7;
	v14 =	vcvt.f32.s32 v19;
	[tilespmem:v20+s16+$0x0] =	vst.idx.add.f32.msk $0xffff, v1  }
.LBB2_18:
0x15d: {  	s28 =	sand.u32 $0x7800, s26;
	s29 =	sand.u32 $0x380, s25;
	s24 =	sadd.s32 $0x10, s24;
	[tilespmem:v6+s16+$0x0] =	vst.idx.add.f32.msk $0xffff, v1;
	v6 =	vmin.u32 v7, $0x3E7;
	v7 =	vmin.u32 v12, $0x3E7;
	v11 =	vmin.u32 v11, $0x3E7  }
0x15e: {  	v8 =	vmin.u32 v8, $0x3E7;
	s28 =	sor.u32 s29, s28;
	p1 =	slt.u32 s24, $0x7F0;
	[tilespmem:v5+s16+$0x0] =	vst.idx.add.f32.msk $0xffff, v1;
	v5 =	vmin.u32 v9, $0x3E7;
	v9 =	vmin.u32 v13, $0x3E7  }
0x15f: {  	v10 =	vmin.u32 v10, $0x3E7;
	v13 =	vmin.u32 v15, $0x3E7;
	v14 =	vmin.u32 v14, $0x3E7;
	v12 =	vld [tilespmem:s28+$0x8470]  }
0x160: {  	v15 =	vld [tilespmem:s28+$0x8000]  }
0x161: {  	v16 =	vld [tilespmem:s28+$0x8010]  }
0x162: {  	v17 =	vld [tilespmem:s28+$0x8020]  }
0x163: {  	v18 =	vld [tilespmem:s28+$0x8030]  }
0x164: {  	v19 =	vld [tilespmem:s28+$0x8040];
	v12 =	vmul.f32 $9.999999380e+02, v12  }
0x165: {  	v15 =	vmul.f32 $9.999999380e+02, v15;
	v20 =	vld [tilespmem:s28+$0x8050]  }
0x166: {  	v16 =	vmul.f32 $9.999999380e+02, v16;
	v21 =	vld [tilespmem:s28+$0x8060];
	v12 =	vtrunc.f32 v12  }
0x167: {  	v17 =	vmul.f32 $9.999999380e+02, v17;
	v22 =	vld [tilespmem:s28+$0x8070];
	v12 =	vcvt.f32.s32 v12  }
0x168: {  	v15 =	vtrunc.f32 v15;
	v18 =	vmul.f32 $9.999999380e+02, v18;
	v23 =	vld [tilespmem:s28+$0x8400]  }
0x169: {  	v16 =	vtrunc.f32 v16;
	v19 =	vmul.f32 $9.999999380e+02, v19;
	v24 =	vld [tilespmem:s28+$0x8410];
	v12 =	vmin.u32 v12, $0x3E7  }
0x16a: {  	v17 =	vtrunc.f32 v17;
	v20 =	vmul.f32 $9.999999380e+02, v20;
	v25 =	vld [tilespmem:s28+$0x8420]  }
0x16b: {  	v18 =	vtrunc.f32 v18;
	v21 =	vmul.f32 $9.999999380e+02, v21;
	v26 =	vld [tilespmem:s28+$0x8430]  }
0x16c: {  	v19 =	vtrunc.f32 v19;
	v22 =	vmul.f32 $9.999999380e+02, v22;
	v27 =	vld [tilespmem:s28+$0x8440]  }
0x16d: {  	v20 =	vtrunc.f32 v20;
	v23 =	vmul.f32 $9.999999380e+02, v23;
	v28 =	vld [tilespmem:s28+$0x8450]  }
0x16e: {  	v21 =	vtrunc.f32 v21;
	v24 =	vmul.f32 $9.999999380e+02, v24;
	[tilespmem:v12+s16+$0x0] =	vst.idx.add.f32.msk $0xffff, v1  }
0x16f: {  	v12 =	vtrunc.f32 v22;
	v22 =	vmul.f32 $9.999999380e+02, v25;
	v25 =	vld [tilespmem:s28+$0x8460]  }
0x170: {  	v23 =	vtrunc.f32 v23;
	v26 =	vmul.f32 $9.999999380e+02, v26;
	[tilespmem:v2+s16+$0x0] =	vst.idx.add.f32.msk $0xffff, v1  }
0x171: {  	v24 =	vtrunc.f32 v24;
	v2 =	vmul.f32 $9.999999380e+02, v27;
	[tilespmem:v3+s16+$0x0] =	vst.idx.add.f32.msk $0xffff, v1  }
0x172: {  	v3 =	vtrunc.f32 v22;
	v22 =	vmul.f32 $9.999999380e+02, v28;
	[tilespmem:v4+s16+$0x0] =	vst.idx.add.f32.msk $0xffff, v1  }
0x173: {  	v4 =	vtrunc.f32 v26;
	v26 =	vtrunc.f32 v2;
	[tilespmem:v6+s16+$0x0] =	vst.idx.add.f32.msk $0xffff, v1  }
0x174: {  	v22 =	vtrunc.f32 v22;
	v2 =	vmul.f32 $9.999999380e+02, v25;
	[tilespmem:v7+s16+$0x0] =	vst.idx.add.f32.msk $0xffff, v1  }
0x175: {  	v6 =	vcvt.f32.s32 v15;
	v7 =	vcvt.f32.s32 v16;
	[tilespmem:v11+s16+$0x0] =	vst.idx.add.f32.msk $0xffff, v1  }
0x176: {  	v11 =	vcvt.f32.s32 v17;
	v16 =	vtrunc.f32 v2;
	[tilespmem:v5+s16+$0x0] =	vst.idx.add.f32.msk $0xffff, v1  }
0x177: {  	v15 =	vmin.u32 v6, $0x3E7;
	v17 =	vcvt.f32.s32 v19;
	v2 =	vcvt.f32.s32 v18;
	[tilespmem:v8+s16+$0x0] =	vst.idx.add.f32.msk $0xffff, v1  }
.Ltmp8:
0x178: {  	v6 =	vmin.u32 v7, $0x3E7;
	v18 =	vcvt.f32.s32 v20;
	v7 =	vcvt.f32.s32 v21;
	[tilespmem:v9+s16+$0x0] =	vst.idx.add.f32.msk $0xffff, v1;
	(pc) =	sbr.rel @p1 .LBB2_18-.Ltmp8, $4  }
0x179: {  	v12 =	vcvt.f32.s32 v12;
	v5 =	vmin.u32 v11, $0x3E7;
	v11 =	vcvt.f32.s32 v23;
	[tilespmem:v10+s16+$0x0] =	vst.idx.add.f32.msk $0xffff, v1  }
0x17a: {  	v8 =	vcvt.f32.s32 v3;
	v2 =	vmin.u32 v2, $0x3E7;
	v9 =	vcvt.f32.s32 v24;
	[tilespmem:v13+s16+$0x0] =	vst.idx.add.f32.msk $0xffff, v1  }
0x17b: {  	v3 =	vmin.u32 v17, $0x3E7;
	v10 =	vcvt.f32.s32 v26;
	v13 =	vcvt.f32.s32 v4;
	[tilespmem:v14+s16+$0x0] =	vst.idx.add.f32.msk $0xffff, v1  }
0x17c: {  	s25 =	sadd.s32 $0x8, s25;
	s26 =	sadd.s32 $0x800, s26;
	v4 =	vmin.u32 v18, $0x3E7;
	v14 =	vcvt.f32.s32 v16;
	[tilespmem:v15+s16+$0x0] =	vst.idx.add.f32.msk $0xffff, v1;
	v15 =	vcvt.f32.s32 v22  }
0x17d: {  	_ =	sdelay $0x3  }
0x17e: {  	[tilespmem:v6+s16+$0x0] =	vst.idx.add.f32.msk $0xffff, v1;
	v57 =	vmin.u32 v7, $0x3E7  }
0x17f: {  	v58 =	vmin.u32 v12, $0x3E7;
	[tilespmem:v5+s16+$0x0] =	vst.idx.add.f32.msk $0xffff, v1  }
0x180: {  	v59 =	vmin.u32 v11, $0x3E7;
	[tilespmem:v2+s16+$0x0] =	vst.idx.add.f32.msk $0xffff, v1  }
0x181: {  	v2 =	vmin.u32 v9, $0x3E7;
	[tilespmem:v3+s16+$0x0] =	vst.idx.add.f32.msk $0xffff, v1  }
0x182: {  	v3 =	vmin.u32 v8, $0x3E7;
	[tilespmem:v4+s16+$0x0] =	vst.idx.add.f32.msk $0xffff, v1  }
0x183: {  	v60 =	vmin.u32 v13, $0x3E7;
	[tilespmem:v57+s16+$0x0] =	vst.idx.add.f32.msk $0xffff, v1  }
0x184: {  	v61 =	vmin.u32 v10, $0x3E7;
	[tilespmem:v58+s16+$0x0] =	vst.idx.add.f32.msk $0xffff, v1  }
0x185: {  	v62 =	vmin.u32 v15, $0x3E7;
	[tilespmem:v59+s16+$0x0] =	vst.idx.add.f32.msk $0xffff, v1  }
0x186: {  	v63 =	vmin.u32 v14, $0x3E7;
	[tilespmem:v2+s16+$0x0] =	vst.idx.add.f32.msk $0xffff, v1  }
.Ltmp9:
0x187: {  	[tilespmem:v3+s16+$0x0] =	vst.idx.add.f32.msk $0xffff, v1;
	(pc) =	sbr.rel @p0 .LBB2_21-.Ltmp9, $4  }
0x188: {  	[tilespmem:v60+s16+$0x0] =	vst.idx.add.f32.msk $0xffff, v1  }
0x189: {  	[tilespmem:v61+s16+$0x0] =	vst.idx.add.f32.msk $0xffff, v1  }
0x18a: {  	[tilespmem:v62+s16+$0x0] =	vst.idx.add.f32.msk $0xffff, v1  }
0x18b: {  	[tilespmem:v63+s16+$0x0] =	vst.idx.add.f32.msk $0xffff, v1  }
.Ltmp10:
0x18c: {  	(pc) =	sbr.rel .LBB2_15-.Ltmp10, $3  }
0x18d: {  	_ =	sdelay $0x1  }
0x18e: {  	s23 =	sadd.s32 s23, s11;
	s22 =	sadd.s32 $0x1, s22  }
0x18f: {  	[tilespmem:s14], [sflag:$0x2] =	stream.linear.gather [hbm4b:s23+s2], $0x8000, $0x38;
	[tilespmem:$0x10800] =	vst v63  }
.LBB2_21:
0x190: {  	s21 =	simm.s32 $0x0  }
0x191: {  	s22 =	simm.s32 $0x40;
	v2 =	vld [tilespmem:s21+$0x10000]  }
.LBB2_22:
0x192: {  	p0 =	sne.s32 s22, $0xFC0  }
.Ltmp11:
0x193: {  	_ = 	snop;
	(pc) =	sbr.rel @p0 .LBB2_22-.Ltmp11, $3  }
0x194: {  	_ =	sdelay $0x1  }
0x195: {  	[tilespmem:s21+$0x10400] =	vst v2;
	s21 =	sshra.s32 s22, $0x2;
	s22 =	sadd.s32 $0x40, s22  }
0x196: {  	v2 =	vld [tilespmem:s21+$0x10000]  }
0x197: {  	_ =	sdelay $0x1  }
0x198: {  	s20 =	sadd.s32 $0x1, s20  }
0x199: {  	p0 =	sne.s32 s20, s13  }
.Ltmp12:
0x19a: {  	[tilespmem:s21+$0x10400] =	vst v2;
	(pc) =	sbr.rel @p0 .LBB2_1-.Ltmp12, $4  }
0x19b: {  	[hbm4b:s12+s2] =	stream.linear.scatter [tilespmem:s18], [sflag:$0x3], $0x400, $0x38;
	[tilespmem:$0x10800] =	vst v63  }
0x19c: {  	_ =	swait.ge [sflag:s19], $0x400  }
0x19d: {  	[sflag:s19] =	ssyncset.done $0x0  }
0x19e: {  	[sflag:s19] =	ssyncadd.s32 $0xFFFFFC00  }
0x19f: {  	_ =	sfence.sel $0x180000  }
0x1a0: {  	[bflag:$0x0] =	sbarrier.arrive $0xFFFF  }
0x1a1: {  	p0 =	sne.s32 s1, $0x0;
	_ =	strace $0x90000047  }
0x1a2: {  	s0 =	sadd.s32 @!p0 $0x100000, s0;
	[bflag:$0x2] =	sbarrier.arrive $0xFFFF  }
0x1a3: {  	[sflag:s0] =	ssyncadd.tile.s32 @!p0 $0x1;
	_ =	shalt  }
.Lfunc_end2:
_tile_overlayer_lowered:
.L_overlay_start_2:
0x1a4: {  	(tag) =	ssettag $0x2  }
0x1a5: {  	s0 =	rddreg [dreg:$0x0];
	s2 =	stileid.u32  }
0x1a6: {  	s1 =	rddreg [dreg:$0x1];
	p0 =	sne.s32 s2, $0x0  }
0x1a7: {  	s3 =	rddreg [dreg:$0x2];
	[bflag:$0x3] =	sbarrier.arrive $0xFFFF;
	s2 =	simm.s32 @!p0 $0x1C03  }
0x1a8: {  	[timem:s3], [sflag:s2] =	dma.local @!p0 [hbm:s0], s1  }
0x1a9: {  	s0 =	simm.s32 @!p0 $0x3  }
0x1aa: {  	_ =	swait.ge @!p0 [sflag:s0], s1  }
0x1ab: {  	s1 =	ssub.s32 @!p0 $0x0, s1;
	[sflag:s0] =	ssyncset.done @!p0 $0x0  }
0x1ac: {  	[sflag:s0] =	ssyncadd.s32 @!p0 s1  }
0x1ad: {  	[bflag:$0x3] =	sbarrier.arrive $0xFFFF  }
0x1ae: {  	_ =	shalt  }

</sc_bundles>
